<compile_context>
chip_gen: v7x
topology: tpu7x:2x2x1
jax: 0.10.2.dev20260603
libtpu: 0.0.44.dev20260713+nightly
codegen_flags: <defaults>
</compile_context>

<pallas_src>
import dataclasses
import functools

import jax
import jax.numpy as jnp
from jax import lax
from jax.experimental import pallas as pl
from jax.experimental.pallas import tpu as pltpu
from jax.experimental.pallas import tpu_sc as plsc

B = 1024
IN_FEATURES = 4096
OUT_FEATURES = 2048
K = 32
NC = 2
NS = 16
NW = NC * NS
RPW = OUT_FEATURES // NW
L = 16
IW = IN_FEATURES // 2

TO = 256


def _compiler_params():
    cp = pltpu.CompilerParams()
    if "needs_layout_passes" in pltpu.CompilerParams.__dataclass_fields__:
        cp = dataclasses.replace(cp, needs_layout_passes=False)
    return cp


def _sc_scatter_weights_packed(idx_and_w):
    mesh = plsc.VectorSubcoreMesh(core_axis_name="c", subcore_axis_name="s")

    @functools.partial(
        pl.kernel,
        out_type=jax.ShapeDtypeStruct((OUT_FEATURES, IW), jnp.int32),
        mesh=mesh,
        compiler_params=_compiler_params(),
        scratch_types=[
            pltpu.VMEM((RPW, 2 * K), jnp.int32),
            pltpu.VMEM((IN_FEATURES,), jnp.float32),
            pltpu.VMEM((IW,), jnp.int32),
            pltpu.VMEM((IW,), jnp.int32),
            pltpu.SemaphoreType.DMA,
            pltpu.SemaphoreType.DMA,
        ],
    )
    def body(iw_hbm, s_hbm, iw_v, fb_v, pb0_v, pb1_v, sem0, sem1):
        pbufs = (pb0_v, pb1_v)
        sems = (sem0, sem1)
        wid = lax.axis_index("s") * NC + lax.axis_index("c")
        base = wid * RPW
        pltpu.sync_copy(iw_hbm.at[pl.ds(base, RPW)], iw_v)

        zf = jnp.zeros((L,), jnp.float32)
        zi = jnp.zeros((L,), jnp.int32)

        @pl.loop(0, IN_FEATURES, step=2 * L)
        def _(c):
            fb_v[pl.ds(c, L)] = zf
            fb_v[pl.ds(c + L, L)] = zf
            pb0_v[pl.ds(lax.div(c, 2), L)] = zi
            pb1_v[pl.ds(lax.div(c, 2), L)] = zi

        def halves(r):
            return [iw_v[r, pl.ds(h * L, L)] for h in range(K // L)]

        def build_row(r, p):
            pb = pbufs[p]
            ivs = halves(r)
            wvs = [plsc.bitcast(iw_v[r, pl.ds(K + h * L, L)], jnp.float32)
                   for h in range(K // L)]
            for iv, wv in zip(ivs, wvs):
                plsc.addupdate_scatter(fb_v, [iv], wv)
            for iv in ivs:
                vals = plsc.load_gather(fb_v, [iv])
                plsc.store_scatter(fb_v, [iv], zf)
                u = plsc.bitcast(vals, jnp.int32)
                lsb = (u >> 16) & 1
                bits = ((u + 0x7FFF + lsb) >> 16) & 0xFFFF
                word = iv & (IW - 1)
                hi = iv >> 11
                shifted = jnp.where(hi == 1, bits << 16, bits)
                for parity in range(2):
                    m = hi == parity
                    cur = plsc.load_gather(pb, [word])
                    plsc.store_scatter(pb, [word], cur | shifted, mask=m)

        def unbuild_row(r, p):
            for iv in halves(r):
                plsc.store_scatter(pbufs[p], [iv & (IW - 1)], zi)

        def start_dma(r, p):
            pltpu.async_copy(pbufs[p], s_hbm.at[base + r], sems[p])

        def wait_dma(r, p):
            pltpu.make_async_copy(pbufs[p], s_hbm.at[base + r],
                                  sems[p]).wait()

        build_row(0, 0)
        start_dma(0, 0)
        build_row(1, 1)
        start_dma(1, 1)

        @pl.loop(2, RPW, step=2)
        def _(r0):
            for p in range(2):
                r = r0 + p
                wait_dma(r - 2, p)
                unbuild_row(r - 2, p)
                build_row(r, p)
                start_dma(r, p)

        wait_dma(RPW - 2, 0)
        wait_dma(RPW - 1, 1)

    return body(idx_and_w)


def _tc_matmul(x, s_packed, bias_row):
    NT = (((1,), (1,)), ((), ()))

    def body(x_ref, s_ref, b_ref, o_ref, xbf_ref):
        @pl.when(pl.program_id(0) == 0)
        def _():
            xbf_ref[...] = x_ref[...].astype(jnp.bfloat16)

        u = s_ref[...]
        lo = lax.bitcast_convert_type(u << 16, jnp.float32)
        hi = lax.bitcast_convert_type(u & jnp.int32(-65536), jnp.float32)
        sb = jnp.concatenate([lo.astype(jnp.bfloat16),
                              hi.astype(jnp.bfloat16)], axis=1)
        acc = lax.dot_general(xbf_ref[...], sb, NT,
                              preferred_element_type=jnp.float32)
        o_ref[...] = acc + b_ref[...]

    return pl.pallas_call(
        body,
        grid=(OUT_FEATURES // TO,),
        in_specs=[
            pl.BlockSpec((B, IN_FEATURES), lambda j: (0, 0)),
            pl.BlockSpec((TO, IW), lambda j: (j, 0)),
            pl.BlockSpec((1, TO), lambda j: (0, j)),
        ],
        out_specs=pl.BlockSpec((B, TO), lambda j: (0, j)),
        out_shape=jax.ShapeDtypeStruct((B, OUT_FEATURES), jnp.float32),
        scratch_shapes=[pltpu.VMEM((B, IN_FEATURES), jnp.bfloat16)],
    )(x, s_packed, bias_row)


def kernel(x, indices, weight, bias):
    idx = indices.astype(jnp.int32)
    w_bits = lax.bitcast_convert_type(weight.astype(jnp.float32), jnp.int32)
    idx_and_w = jnp.concatenate([idx, w_bits], axis=1)
    s_packed = _sc_scatter_weights_packed(idx_and_w)
    return _tc_matmul(x, s_packed,
                      bias.astype(jnp.float32).reshape(1, OUT_FEATURES))

# --- scband reference (transcript-rebuilt; emitter-appended) ---
"""Pipeline reference for scband-sparse-linear-81071802679938 (READ-ONLY COPY).

The authoritative reference and input builder live on the scoring server;
editing this copy changes nothing except your own understanding.
"""

import jax, jax.numpy as jnp
import numpy as np

B = 1024
IN_FEATURES = 4096
OUT_FEATURES = 2048
K = 32


def setup_inputs(seed: int = 0) -> dict:
    key = jax.random.key(seed)
    k1, k2, k3 = jax.random.split(key, 3)
    x = jax.random.normal(k1, (B, IN_FEATURES), dtype=jnp.float32)
    indices = jax.random.randint(k2, (OUT_FEATURES, K), 0, IN_FEATURES, dtype=jnp.int64)
    weight = jax.random.normal(k3, (OUT_FEATURES, K), dtype=jnp.float32) * 0.1
    bias = jnp.zeros((OUT_FEATURES,), dtype=jnp.float32)
    return {"x": x, "indices": indices, "weight": weight, "bias": bias}


def reference(x, indices, weight, bias):
    # x_selected = x[:, indices] -> [B, out_features, K] gather along feature dim
    x_selected = jnp.take(x, indices, axis=1)
    # out[b, o] = sum_k x_selected[b, o, k] * weight[o, k] + bias[o]
    out = jnp.einsum('bok,ok->bo', x_selected, weight) + bias
    return out

if __name__ == "__main__":
    import jax
    _d = setup_inputs()
    print(jax.jit(kernel)(*tuple(_d.values())))

</pallas_src>

<mosaic_0001>
#map = affine_map<(d0, d1) -> (0, 0)>
module attributes {stable_mosaic.version = 14 : i64} {
  func.func @body(%arg0: i32, %arg1: i32, %arg2: memref<2048x64xi32, #tpu.memory_space<hbm>>, %arg3: memref<2048x2048xi32, #tpu.memory_space<hbm>>, %arg4: memref<64x64xi32, #tpu.memory_space<vmem>>, %arg5: memref<4096xf32, #tpu.memory_space<vmem>>, %arg6: memref<2048xi32, #tpu.memory_space<vmem>>, %arg7: memref<2048xi32, #tpu.memory_space<vmem>>, %arg8: memref<!tpu.dma_semaphore, #tpu.memory_space<semaphore_mem>>, %arg9: memref<!tpu.dma_semaphore, #tpu.memory_space<semaphore_mem>>) attributes {dimension_semantics = [#tpu.dimension_semantics<core_parallel>, #tpu.dimension_semantics<subcore_parallel>], iteration_bounds = array<i64: 2, 16>, scalar_prefetch = 0 : i64, scratch_operands = 6 : i64, tpu.core_type = #tpu.core_type<sc_vector_subcore>, window_params = [{transform_indices = #map}, {transform_indices = #map}]} {
    %mul3A = arith.constant 2 : i32
    %mul3A_0 = arith.muli %arg1, %mul3A : i32
    %add3A = arith.addi %mul3A_0, %arg0 : i32
    %mul3A_1 = arith.constant 64 : i32
    %mul3A_2 = arith.muli %add3A, %mul3A_1 : i32
    "tpu.region"() ({
      %run_scoped3A = tpu.sem_alloc : memref<!tpu.dma_semaphore, #tpu.memory_space<semaphore_mem>>
      %dma_start3A_236 = arith.constant 0 : i32
      %dma_start3A_237 = tpu.memref_slice %arg2[%mul3A_2, %dma_start3A_236] : memref<2048x64xi32, #tpu.memory_space<hbm>> -> memref<64x64xi32, #tpu.memory_space<hbm>>
      %dma_start3A_238 = arith.constant 0 : i32
      %dma_start3A_239 = tpu.memref_slice %arg2[%mul3A_2, %dma_start3A_238] : memref<2048x64xi32, #tpu.memory_space<hbm>> -> memref<64x64xi32, #tpu.memory_space<hbm>>
      tpu.enqueue_dma source(%dma_start3A_239 : memref<64x64xi32, #tpu.memory_space<hbm>>) target(%arg4 : memref<64x64xi32, #tpu.memory_space<vmem>>) target_semaphore(%run_scoped3A : memref<!tpu.dma_semaphore, #tpu.memory_space<semaphore_mem>>)
      %dma_wait3A_240 = arith.constant 0 : i32
      %dma_wait3A_241 = tpu.memref_slice %arg2[%mul3A_2, %dma_wait3A_240] : memref<2048x64xi32, #tpu.memory_space<hbm>> -> memref<64x64xi32, #tpu.memory_space<hbm>>
      %dma_wait3A_242 = arith.constant 0 : i32
      %dma_wait3A_243 = tpu.memref_slice %arg2[%mul3A_2, %dma_wait3A_242] : memref<2048x64xi32, #tpu.memory_space<hbm>> -> memref<64x64xi32, #tpu.memory_space<hbm>>
      tpu.wait_dma2 semaphore(%run_scoped3A : memref<!tpu.dma_semaphore, #tpu.memory_space<semaphore_mem>>) src(%dma_wait3A_243 : memref<64x64xi32, #tpu.memory_space<hbm>>) dst(%arg4 : memref<64x64xi32, #tpu.memory_space<vmem>>)
      tpu.yield
    }) : () -> ()
    %broadcast_in_dim3A = arith.constant 0.000000e+00 : f32
    %broadcast_in_dim3A_3 = vector.broadcast %broadcast_in_dim3A : f32 to vector<16xf32>
    %broadcast_in_dim3A_4 = arith.constant 0 : i32
    %broadcast_in_dim3A_5 = vector.broadcast %broadcast_in_dim3A_4 : i32 to vector<16xi32>
    %scan3A = arith.constant 0 : i32
    %scan3A_6 = arith.constant 128 : i32
    %scan3A_7 = arith.addi %scan3A, %scan3A_6 : i32
    %scan3A_8 = arith.constant 1 : i32
    scf.for %scan3A_236 = %scan3A to %scan3A_7 step %scan3A_8  : i32 {
      %mul3A_237 = arith.constant 32 : i32
      %mul3A_238 = arith.muli %scan3A_236, %mul3A_237 : i32
      %add3A_239 = arith.constant 0 : i32
      %add3A_240 = arith.addi %add3A_239, %mul3A_238 : i32
      %swap3A = arith.index_cast %add3A_240 : i32 to index
      %swap3A_241 = tpu.vector_load %arg5[%swap3A] {strides = array<i32>} : memref<4096xf32, #tpu.memory_space<vmem>>, vector<16xf32>,
      tpu.vector_store %arg5[%swap3A], %broadcast_in_dim3A_3 {strides = array<i32>} : memref<4096xf32, #tpu.memory_space<vmem>>, vector<16xf32>,
      %add3A_242 = arith.constant 16 : i32
      %add3A_243 = arith.addi %add3A_240, %add3A_242 : i32
      %swap3A_244 = arith.index_cast %add3A_243 : i32 to index
      %swap3A_245 = tpu.vector_load %arg5[%swap3A_244] {strides = array<i32>} : memref<4096xf32, #tpu.memory_space<vmem>>, vector<16xf32>,
      tpu.vector_store %arg5[%swap3A_244], %broadcast_in_dim3A_3 {strides = array<i32>} : memref<4096xf32, #tpu.memory_space<vmem>>, vector<16xf32>,
      %div3A = arith.constant 2 : i32
      %div3A_246 = arith.divsi %add3A_240, %div3A : i32
      %swap3A_247 = arith.index_cast %div3A_246 : i32 to index
      %swap3A_248 = tpu.vector_load %arg6[%swap3A_247] {strides = array<i32>} : memref<2048xi32, #tpu.memory_space<vmem>>, vector<16xi32>,
      tpu.vector_store %arg6[%swap3A_247], %broadcast_in_dim3A_5 {strides = array<i32>} : memref<2048xi32, #tpu.memory_space<vmem>>, vector<16xi32>,
      %div3A_249 = arith.constant 2 : i32
      %div3A_250 = arith.divsi %add3A_240, %div3A_249 : i32
      %swap3A_251 = arith.index_cast %div3A_250 : i32 to index
      %swap3A_252 = tpu.vector_load %arg7[%swap3A_251] {strides = array<i32>} : memref<2048xi32, #tpu.memory_space<vmem>>, vector<16xi32>,
      tpu.vector_store %arg7[%swap3A_251], %broadcast_in_dim3A_5 {strides = array<i32>} : memref<2048xi32, #tpu.memory_space<vmem>>, vector<16xi32>,
    }
    %scan3A_9 = arith.constant 128 : i32
    %get3A = arith.constant 0 : i32
    %get3A_10 = arith.index_cast %get3A : i32 to index
    %get3A_11 = arith.constant 0 : index
    %get3A_12 = tpu.vector_load %arg4[%get3A_10, %get3A_11] {strides = array<i32>} : memref<64x64xi32, #tpu.memory_space<vmem>>, vector<16xi32>,
    %get3A_13 = arith.constant 0 : i32
    %get3A_14 = arith.index_cast %get3A_13 : i32 to index
    %get3A_15 = arith.constant 16 : index
    %get3A_16 = tpu.vector_load %arg4[%get3A_14, %get3A_15] {strides = array<i32>} : memref<64x64xi32, #tpu.memory_space<vmem>>, vector<16xi32>,
    %get3A_17 = arith.constant 0 : i32
    %get3A_18 = arith.index_cast %get3A_17 : i32 to index
    %get3A_19 = arith.constant 32 : index
    %get3A_20 = tpu.vector_load %arg4[%get3A_18, %get3A_19] {strides = array<i32>} : memref<64x64xi32, #tpu.memory_space<vmem>>, vector<16xi32>,
    %bitcast3A = vector.bitcast %get3A_20 : vector<16xi32> to vector<16xf32>
    %get3A_21 = arith.constant 0 : i32
    %get3A_22 = arith.index_cast %get3A_21 : i32 to index
    %get3A_23 = arith.constant 48 : index
    %get3A_24 = tpu.vector_load %arg4[%get3A_22, %get3A_23] {strides = array<i32>} : memref<64x64xi32, #tpu.memory_space<vmem>>, vector<16xi32>,
    %bitcast3A_25 = vector.bitcast %get3A_24 : vector<16xi32> to vector<16xf32>
    tpu.vector_store_idx %arg5[%get3A_12], %bitcast3A {add = true} : memref<4096xf32, #tpu.memory_space<vmem>>[vector<16xi32>], vector<16xf32>,
    tpu.vector_store_idx %arg5[%get3A_16], %bitcast3A_25 {add = true} : memref<4096xf32, #tpu.memory_space<vmem>>[vector<16xi32>], vector<16xf32>,
    %gather3A = tpu.vector_load_idx %arg5[%get3A_12] : memref<4096xf32, #tpu.memory_space<vmem>>[vector<16xi32>], vector<16xf32>,
    tpu.vector_store_idx %arg5[%get3A_12], %broadcast_in_dim3A_3 : memref<4096xf32, #tpu.memory_space<vmem>>[vector<16xi32>], vector<16xf32>,
    %bitcast3A_26 = vector.bitcast %gather3A : vector<16xf32> to vector<16xi32>
    %shift_right_arithmetic3A = arith.constant 16 : i32
    %shift_right_arithmetic3A_27 = vector.broadcast %shift_right_arithmetic3A : i32 to vector<16xi32>
    %shift_right_arithmetic3A_28 = arith.shrsi %bitcast3A_26, %shift_right_arithmetic3A_27 : vector<16xi32>
    %and3A = arith.constant 1 : i32
    %and3A_29 = vector.broadcast %and3A : i32 to vector<16xi32>
    %and3A_30 = arith.andi %shift_right_arithmetic3A_28, %and3A_29 : vector<16xi32>
    %add3A_31 = arith.constant 32767 : i32
    %add3A_32 = vector.broadcast %add3A_31 : i32 to vector<16xi32>
    %add3A_33 = arith.addi %bitcast3A_26, %add3A_32 : vector<16xi32>
    %add3A_34 = arith.addi %add3A_33, %and3A_30 : vector<16xi32>
    %shift_right_arithmetic3A_35 = arith.constant 16 : i32
    %shift_right_arithmetic3A_36 = vector.broadcast %shift_right_arithmetic3A_35 : i32 to vector<16xi32>
    %shift_right_arithmetic3A_37 = arith.shrsi %add3A_34, %shift_right_arithmetic3A_36 : vector<16xi32>
    %and3A_38 = arith.constant 65535 : i32
    %and3A_39 = vector.broadcast %and3A_38 : i32 to vector<16xi32>
    %and3A_40 = arith.andi %shift_right_arithmetic3A_37, %and3A_39 : vector<16xi32>
    %and3A_41 = arith.constant 2047 : i32
    %and3A_42 = vector.broadcast %and3A_41 : i32 to vector<16xi32>
    %and3A_43 = arith.andi %get3A_12, %and3A_42 : vector<16xi32>
    %shift_right_arithmetic3A_44 = arith.constant 11 : i32
    %shift_right_arithmetic3A_45 = vector.broadcast %shift_right_arithmetic3A_44 : i32 to vector<16xi32>
    %shift_right_arithmetic3A_46 = arith.shrsi %get3A_12, %shift_right_arithmetic3A_45 : vector<16xi32>
    %eq3A = arith.constant 1 : i32
    %eq3A_47 = vector.broadcast %eq3A : i32 to vector<16xi32>
    %eq3A_48 = arith.cmpi eq, %shift_right_arithmetic3A_46, %eq3A_47 : vector<16xi32>
    %shift_left3A = arith.constant 16 : i32
    %shift_left3A_49 = vector.broadcast %shift_left3A : i32 to vector<16xi32>
    %shift_left3A_50 = arith.shli %and3A_40, %shift_left3A_49 : vector<16xi32>
    %select_n3A = arith.select %eq3A_48, %shift_left3A_50, %and3A_40 : vector<16xi1>, vector<16xi32>
    %eq3A_51 = arith.constant 0 : i32
    %eq3A_52 = vector.broadcast %eq3A_51 : i32 to vector<16xi32>
    %eq3A_53 = arith.cmpi eq, %shift_right_arithmetic3A_46, %eq3A_52 : vector<16xi32>
    %gather3A_54 = tpu.vector_load_idx %arg6[%and3A_43] : memref<2048xi32, #tpu.memory_space<vmem>>[vector<16xi32>], vector<16xi32>,
    %or3A = arith.ori %gather3A_54, %select_n3A : vector<16xi32>
    tpu.vector_store_idx %arg6[%and3A_43], %or3A masked %eq3A_53 : memref<2048xi32, #tpu.memory_space<vmem>>[vector<16xi32>], vector<16xi32>, vector<16xi1>
    %eq3A_55 = arith.constant 1 : i32
    %eq3A_56 = vector.broadcast %eq3A_55 : i32 to vector<16xi32>
    %eq3A_57 = arith.cmpi eq, %shift_right_arithmetic3A_46, %eq3A_56 : vector<16xi32>
    %gather3A_58 = tpu.vector_load_idx %arg6[%and3A_43] : memref<2048xi32, #tpu.memory_space<vmem>>[vector<16xi32>], vector<16xi32>,
    %or3A_59 = arith.ori %gather3A_58, %select_n3A : vector<16xi32>
    tpu.vector_store_idx %arg6[%and3A_43], %or3A_59 masked %eq3A_57 : memref<2048xi32, #tpu.memory_space<vmem>>[vector<16xi32>], vector<16xi32>, vector<16xi1>
    %gather3A_60 = tpu.vector_load_idx %arg5[%get3A_16] : memref<4096xf32, #tpu.memory_space<vmem>>[vector<16xi32>], vector<16xf32>,
    tpu.vector_store_idx %arg5[%get3A_16], %broadcast_in_dim3A_3 : memref<4096xf32, #tpu.memory_space<vmem>>[vector<16xi32>], vector<16xf32>,
    %bitcast3A_61 = vector.bitcast %gather3A_60 : vector<16xf32> to vector<16xi32>
    %shift_right_arithmetic3A_62 = arith.constant 16 : i32
    %shift_right_arithmetic3A_63 = vector.broadcast %shift_right_arithmetic3A_62 : i32 to vector<16xi32>
    %shift_right_arithmetic3A_64 = arith.shrsi %bitcast3A_61, %shift_right_arithmetic3A_63 : vector<16xi32>
    %and3A_65 = arith.constant 1 : i32
    %and3A_66 = vector.broadcast %and3A_65 : i32 to vector<16xi32>
    %and3A_67 = arith.andi %shift_right_arithmetic3A_64, %and3A_66 : vector<16xi32>
    %add3A_68 = arith.constant 32767 : i32
    %add3A_69 = vector.broadcast %add3A_68 : i32 to vector<16xi32>
    %add3A_70 = arith.addi %bitcast3A_61, %add3A_69 : vector<16xi32>
    %add3A_71 = arith.addi %add3A_70, %and3A_67 : vector<16xi32>
    %shift_right_arithmetic3A_72 = arith.constant 16 : i32
    %shift_right_arithmetic3A_73 = vector.broadcast %shift_right_arithmetic3A_72 : i32 to vector<16xi32>
    %shift_right_arithmetic3A_74 = arith.shrsi %add3A_71, %shift_right_arithmetic3A_73 : vector<16xi32>
    %and3A_75 = arith.constant 65535 : i32
    %and3A_76 = vector.broadcast %and3A_75 : i32 to vector<16xi32>
    %and3A_77 = arith.andi %shift_right_arithmetic3A_74, %and3A_76 : vector<16xi32>
    %and3A_78 = arith.constant 2047 : i32
    %and3A_79 = vector.broadcast %and3A_78 : i32 to vector<16xi32>
    %and3A_80 = arith.andi %get3A_16, %and3A_79 : vector<16xi32>
    %shift_right_arithmetic3A_81 = arith.constant 11 : i32
    %shift_right_arithmetic3A_82 = vector.broadcast %shift_right_arithmetic3A_81 : i32 to vector<16xi32>
    %shift_right_arithmetic3A_83 = arith.shrsi %get3A_16, %shift_right_arithmetic3A_82 : vector<16xi32>
    %eq3A_84 = arith.constant 1 : i32
    %eq3A_85 = vector.broadcast %eq3A_84 : i32 to vector<16xi32>
    %eq3A_86 = arith.cmpi eq, %shift_right_arithmetic3A_83, %eq3A_85 : vector<16xi32>
    %shift_left3A_87 = arith.constant 16 : i32
    %shift_left3A_88 = vector.broadcast %shift_left3A_87 : i32 to vector<16xi32>
    %shift_left3A_89 = arith.shli %and3A_77, %shift_left3A_88 : vector<16xi32>
    %select_n3A_90 = arith.select %eq3A_86, %shift_left3A_89, %and3A_77 : vector<16xi1>, vector<16xi32>
    %eq3A_91 = arith.constant 0 : i32
    %eq3A_92 = vector.broadcast %eq3A_91 : i32 to vector<16xi32>
    %eq3A_93 = arith.cmpi eq, %shift_right_arithmetic3A_83, %eq3A_92 : vector<16xi32>
    %gather3A_94 = tpu.vector_load_idx %arg6[%and3A_80] : memref<2048xi32, #tpu.memory_space<vmem>>[vector<16xi32>], vector<16xi32>,
    %or3A_95 = arith.ori %gather3A_94, %select_n3A_90 : vector<16xi32>
    tpu.vector_store_idx %arg6[%and3A_80], %or3A_95 masked %eq3A_93 : memref<2048xi32, #tpu.memory_space<vmem>>[vector<16xi32>], vector<16xi32>, vector<16xi1>
    %eq3A_96 = arith.constant 1 : i32
    %eq3A_97 = vector.broadcast %eq3A_96 : i32 to vector<16xi32>
    %eq3A_98 = arith.cmpi eq, %shift_right_arithmetic3A_83, %eq3A_97 : vector<16xi32>
    %gather3A_99 = tpu.vector_load_idx %arg6[%and3A_80] : memref<2048xi32, #tpu.memory_space<vmem>>[vector<16xi32>], vector<16xi32>,
    %or3A_100 = arith.ori %gather3A_99, %select_n3A_90 : vector<16xi32>
    tpu.vector_store_idx %arg6[%and3A_80], %or3A_100 masked %eq3A_98 : memref<2048xi32, #tpu.memory_space<vmem>>[vector<16xi32>], vector<16xi32>, vector<16xi1>
    %add3A_101 = arith.constant 0 : i32
    %add3A_102 = arith.addi %mul3A_2, %add3A_101 : i32
    %dma_start3A = arith.constant 0 : i32
    %dma_start3A_103 = tpu.memref_slice %arg3[%add3A_102, %dma_start3A] : memref<2048x2048xi32, #tpu.memory_space<hbm>> -> memref<1x2048xi32, #tpu.memory_space<hbm>>
    %dma_start3A_104 = tpu.memref_squeeze %dma_start3A_103 : memref<1x2048xi32, #tpu.memory_space<hbm>> -> memref<2048xi32, #tpu.memory_space<hbm>>
    %dma_start3A_105 = arith.constant 0 : i32
    %dma_start3A_106 = tpu.memref_slice %arg3[%add3A_102, %dma_start3A_105] : memref<2048x2048xi32, #tpu.memory_space<hbm>> -> memref<1x2048xi32, #tpu.memory_space<hbm>>
    %dma_start3A_107 = tpu.memref_squeeze %dma_start3A_106 : memref<1x2048xi32, #tpu.memory_space<hbm>> -> memref<2048xi32, #tpu.memory_space<hbm>>
    tpu.enqueue_dma source(%arg6 : memref<2048xi32, #tpu.memory_space<vmem>>) target(%dma_start3A_107 : memref<2048xi32, #tpu.memory_space<hbm>>) target_semaphore(%arg8 : memref<!tpu.dma_semaphore, #tpu.memory_space<semaphore_mem>>)
    %get3A_108 = arith.constant 1 : i32
    %get3A_109 = arith.index_cast %get3A_108 : i32 to index
    %get3A_110 = arith.constant 0 : index
    %get3A_111 = tpu.vector_load %arg4[%get3A_109, %get3A_110] {strides = array<i32>} : memref<64x64xi32, #tpu.memory_space<vmem>>, vector<16xi32>,
    %get3A_112 = arith.constant 1 : i32
    %get3A_113 = arith.index_cast %get3A_112 : i32 to index
    %get3A_114 = arith.constant 16 : index
    %get3A_115 = tpu.vector_load %arg4[%get3A_113, %get3A_114] {strides = array<i32>} : memref<64x64xi32, #tpu.memory_space<vmem>>, vector<16xi32>,
    %get3A_116 = arith.constant 1 : i32
    %get3A_117 = arith.index_cast %get3A_116 : i32 to index
    %get3A_118 = arith.constant 32 : index
    %get3A_119 = tpu.vector_load %arg4[%get3A_117, %get3A_118] {strides = array<i32>} : memref<64x64xi32, #tpu.memory_space<vmem>>, vector<16xi32>,
    %bitcast3A_120 = vector.bitcast %get3A_119 : vector<16xi32> to vector<16xf32>
    %get3A_121 = arith.constant 1 : i32
    %get3A_122 = arith.index_cast %get3A_121 : i32 to index
    %get3A_123 = arith.constant 48 : index
    %get3A_124 = tpu.vector_load %arg4[%get3A_122, %get3A_123] {strides = array<i32>} : memref<64x64xi32, #tpu.memory_space<vmem>>, vector<16xi32>,
    %bitcast3A_125 = vector.bitcast %get3A_124 : vector<16xi32> to vector<16xf32>
    tpu.vector_store_idx %arg5[%get3A_111], %bitcast3A_120 {add = true} : memref<4096xf32, #tpu.memory_space<vmem>>[vector<16xi32>], vector<16xf32>,
    tpu.vector_store_idx %arg5[%get3A_115], %bitcast3A_125 {add = true} : memref<4096xf32, #tpu.memory_space<vmem>>[vector<16xi32>], vector<16xf32>,
    %gather3A_126 = tpu.vector_load_idx %arg5[%get3A_111] : memref<4096xf32, #tpu.memory_space<vmem>>[vector<16xi32>], vector<16xf32>,
    tpu.vector_store_idx %arg5[%get3A_111], %broadcast_in_dim3A_3 : memref<4096xf32, #tpu.memory_space<vmem>>[vector<16xi32>], vector<16xf32>,
    %bitcast3A_127 = vector.bitcast %gather3A_126 : vector<16xf32> to vector<16xi32>
    %shift_right_arithmetic3A_128 = arith.constant 16 : i32
    %shift_right_arithmetic3A_129 = vector.broadcast %shift_right_arithmetic3A_128 : i32 to vector<16xi32>
    %shift_right_arithmetic3A_130 = arith.shrsi %bitcast3A_127, %shift_right_arithmetic3A_129 : vector<16xi32>
    %and3A_131 = arith.constant 1 : i32
    %and3A_132 = vector.broadcast %and3A_131 : i32 to vector<16xi32>
    %and3A_133 = arith.andi %shift_right_arithmetic3A_130, %and3A_132 : vector<16xi32>
    %add3A_134 = arith.constant 32767 : i32
    %add3A_135 = vector.broadcast %add3A_134 : i32 to vector<16xi32>
    %add3A_136 = arith.addi %bitcast3A_127, %add3A_135 : vector<16xi32>
    %add3A_137 = arith.addi %add3A_136, %and3A_133 : vector<16xi32>
    %shift_right_arithmetic3A_138 = arith.constant 16 : i32
    %shift_right_arithmetic3A_139 = vector.broadcast %shift_right_arithmetic3A_138 : i32 to vector<16xi32>
    %shift_right_arithmetic3A_140 = arith.shrsi %add3A_137, %shift_right_arithmetic3A_139 : vector<16xi32>
    %and3A_141 = arith.constant 65535 : i32
    %and3A_142 = vector.broadcast %and3A_141 : i32 to vector<16xi32>
    %and3A_143 = arith.andi %shift_right_arithmetic3A_140, %and3A_142 : vector<16xi32>
    %and3A_144 = arith.constant 2047 : i32
    %and3A_145 = vector.broadcast %and3A_144 : i32 to vector<16xi32>
    %and3A_146 = arith.andi %get3A_111, %and3A_145 : vector<16xi32>
    %shift_right_arithmetic3A_147 = arith.constant 11 : i32
    %shift_right_arithmetic3A_148 = vector.broadcast %shift_right_arithmetic3A_147 : i32 to vector<16xi32>
    %shift_right_arithmetic3A_149 = arith.shrsi %get3A_111, %shift_right_arithmetic3A_148 : vector<16xi32>
    %eq3A_150 = arith.constant 1 : i32
    %eq3A_151 = vector.broadcast %eq3A_150 : i32 to vector<16xi32>
    %eq3A_152 = arith.cmpi eq, %shift_right_arithmetic3A_149, %eq3A_151 : vector<16xi32>
    %shift_left3A_153 = arith.constant 16 : i32
    %shift_left3A_154 = vector.broadcast %shift_left3A_153 : i32 to vector<16xi32>
    %shift_left3A_155 = arith.shli %and3A_143, %shift_left3A_154 : vector<16xi32>
    %select_n3A_156 = arith.select %eq3A_152, %shift_left3A_155, %and3A_143 : vector<16xi1>, vector<16xi32>
    %eq3A_157 = arith.constant 0 : i32
    %eq3A_158 = vector.broadcast %eq3A_157 : i32 to vector<16xi32>
    %eq3A_159 = arith.cmpi eq, %shift_right_arithmetic3A_149, %eq3A_158 : vector<16xi32>
    %gather3A_160 = tpu.vector_load_idx %arg7[%and3A_146] : memref<2048xi32, #tpu.memory_space<vmem>>[vector<16xi32>], vector<16xi32>,
    %or3A_161 = arith.ori %gather3A_160, %select_n3A_156 : vector<16xi32>
    tpu.vector_store_idx %arg7[%and3A_146], %or3A_161 masked %eq3A_159 : memref<2048xi32, #tpu.memory_space<vmem>>[vector<16xi32>], vector<16xi32>, vector<16xi1>
    %eq3A_162 = arith.constant 1 : i32
    %eq3A_163 = vector.broadcast %eq3A_162 : i32 to vector<16xi32>
    %eq3A_164 = arith.cmpi eq, %shift_right_arithmetic3A_149, %eq3A_163 : vector<16xi32>
    %gather3A_165 = tpu.vector_load_idx %arg7[%and3A_146] : memref<2048xi32, #tpu.memory_space<vmem>>[vector<16xi32>], vector<16xi32>,
    %or3A_166 = arith.ori %gather3A_165, %select_n3A_156 : vector<16xi32>
    tpu.vector_store_idx %arg7[%and3A_146], %or3A_166 masked %eq3A_164 : memref<2048xi32, #tpu.memory_space<vmem>>[vector<16xi32>], vector<16xi32>, vector<16xi1>
    %gather3A_167 = tpu.vector_load_idx %arg5[%get3A_115] : memref<4096xf32, #tpu.memory_space<vmem>>[vector<16xi32>], vector<16xf32>,
    tpu.vector_store_idx %arg5[%get3A_115], %broadcast_in_dim3A_3 : memref<4096xf32, #tpu.memory_space<vmem>>[vector<16xi32>], vector<16xf32>,
    %bitcast3A_168 = vector.bitcast %gather3A_167 : vector<16xf32> to vector<16xi32>
    %shift_right_arithmetic3A_169 = arith.constant 16 : i32
    %shift_right_arithmetic3A_170 = vector.broadcast %shift_right_arithmetic3A_169 : i32 to vector<16xi32>
    %shift_right_arithmetic3A_171 = arith.shrsi %bitcast3A_168, %shift_right_arithmetic3A_170 : vector<16xi32>
    %and3A_172 = arith.constant 1 : i32
    %and3A_173 = vector.broadcast %and3A_172 : i32 to vector<16xi32>
    %and3A_174 = arith.andi %shift_right_arithmetic3A_171, %and3A_173 : vector<16xi32>
    %add3A_175 = arith.constant 32767 : i32
    %add3A_176 = vector.broadcast %add3A_175 : i32 to vector<16xi32>
    %add3A_177 = arith.addi %bitcast3A_168, %add3A_176 : vector<16xi32>
    %add3A_178 = arith.addi %add3A_177, %and3A_174 : vector<16xi32>
    %shift_right_arithmetic3A_179 = arith.constant 16 : i32
    %shift_right_arithmetic3A_180 = vector.broadcast %shift_right_arithmetic3A_179 : i32 to vector<16xi32>
    %shift_right_arithmetic3A_181 = arith.shrsi %add3A_178, %shift_right_arithmetic3A_180 : vector<16xi32>
    %and3A_182 = arith.constant 65535 : i32
    %and3A_183 = vector.broadcast %and3A_182 : i32 to vector<16xi32>
    %and3A_184 = arith.andi %shift_right_arithmetic3A_181, %and3A_183 : vector<16xi32>
    %and3A_185 = arith.constant 2047 : i32
    %and3A_186 = vector.broadcast %and3A_185 : i32 to vector<16xi32>
    %and3A_187 = arith.andi %get3A_115, %and3A_186 : vector<16xi32>
    %shift_right_arithmetic3A_188 = arith.constant 11 : i32
    %shift_right_arithmetic3A_189 = vector.broadcast %shift_right_arithmetic3A_188 : i32 to vector<16xi32>
    %shift_right_arithmetic3A_190 = arith.shrsi %get3A_115, %shift_right_arithmetic3A_189 : vector<16xi32>
    %eq3A_191 = arith.constant 1 : i32
    %eq3A_192 = vector.broadcast %eq3A_191 : i32 to vector<16xi32>
    %eq3A_193 = arith.cmpi eq, %shift_right_arithmetic3A_190, %eq3A_192 : vector<16xi32>
    %shift_left3A_194 = arith.constant 16 : i32
    %shift_left3A_195 = vector.broadcast %shift_left3A_194 : i32 to vector<16xi32>
    %shift_left3A_196 = arith.shli %and3A_184, %shift_left3A_195 : vector<16xi32>
    %select_n3A_197 = arith.select %eq3A_193, %shift_left3A_196, %and3A_184 : vector<16xi1>, vector<16xi32>
    %eq3A_198 = arith.constant 0 : i32
    %eq3A_199 = vector.broadcast %eq3A_198 : i32 to vector<16xi32>
    %eq3A_200 = arith.cmpi eq, %shift_right_arithmetic3A_190, %eq3A_199 : vector<16xi32>
    %gather3A_201 = tpu.vector_load_idx %arg7[%and3A_187] : memref<2048xi32, #tpu.memory_space<vmem>>[vector<16xi32>], vector<16xi32>,
    %or3A_202 = arith.ori %gather3A_201, %select_n3A_197 : vector<16xi32>
    tpu.vector_store_idx %arg7[%and3A_187], %or3A_202 masked %eq3A_200 : memref<2048xi32, #tpu.memory_space<vmem>>[vector<16xi32>], vector<16xi32>, vector<16xi1>
    %eq3A_203 = arith.constant 1 : i32
    %eq3A_204 = vector.broadcast %eq3A_203 : i32 to vector<16xi32>
    %eq3A_205 = arith.cmpi eq, %shift_right_arithmetic3A_190, %eq3A_204 : vector<16xi32>
    %gather3A_206 = tpu.vector_load_idx %arg7[%and3A_187] : memref<2048xi32, #tpu.memory_space<vmem>>[vector<16xi32>], vector<16xi32>,
    %or3A_207 = arith.ori %gather3A_206, %select_n3A_197 : vector<16xi32>
    tpu.vector_store_idx %arg7[%and3A_187], %or3A_207 masked %eq3A_205 : memref<2048xi32, #tpu.memory_space<vmem>>[vector<16xi32>], vector<16xi32>, vector<16xi1>
    %add3A_208 = arith.constant 1 : i32
    %add3A_209 = arith.addi %mul3A_2, %add3A_208 : i32
    %dma_start3A_210 = arith.constant 0 : i32
    %dma_start3A_211 = tpu.memref_slice %arg3[%add3A_209, %dma_start3A_210] : memref<2048x2048xi32, #tpu.memory_space<hbm>> -> memref<1x2048xi32, #tpu.memory_space<hbm>>
    %dma_start3A_212 = tpu.memref_squeeze %dma_start3A_211 : memref<1x2048xi32, #tpu.memory_space<hbm>> -> memref<2048xi32, #tpu.memory_space<hbm>>
    %dma_start3A_213 = arith.constant 0 : i32
    %dma_start3A_214 = tpu.memref_slice %arg3[%add3A_209, %dma_start3A_213] : memref<2048x2048xi32, #tpu.memory_space<hbm>> -> memref<1x2048xi32, #tpu.memory_space<hbm>>
    %dma_start3A_215 = tpu.memref_squeeze %dma_start3A_214 : memref<1x2048xi32, #tpu.memory_space<hbm>> -> memref<2048xi32, #tpu.memory_space<hbm>>
    tpu.enqueue_dma source(%arg7 : memref<2048xi32, #tpu.memory_space<vmem>>) target(%dma_start3A_215 : memref<2048xi32, #tpu.memory_space<hbm>>) target_semaphore(%arg9 : memref<!tpu.dma_semaphore, #tpu.memory_space<semaphore_mem>>)
    %scan3A_216 = arith.constant 0 : i32
    %scan3A_217 = arith.constant 31 : i32
    %scan3A_218 = arith.addi %scan3A_216, %scan3A_217 : i32
    %scan3A_219 = arith.constant 1 : i32
    scf.for %scan3A_236 = %scan3A_216 to %scan3A_218 step %scan3A_219  : i32 {
      %mul3A_237 = arith.constant 2 : i32
      %mul3A_238 = arith.muli %scan3A_236, %mul3A_237 : i32
      %add3A_239 = arith.constant 2 : i32
      %add3A_240 = arith.addi %add3A_239, %mul3A_238 : i32
      %add3A_241 = arith.constant 0 : i32
      %add3A_242 = arith.addi %add3A_240, %add3A_241 : i32
      %sub3A = arith.constant 2 : i32
      %sub3A_243 = arith.subi %add3A_242, %sub3A : i32
      %add3A_244 = arith.addi %mul3A_2, %sub3A_243 : i32
      %dma_wait3A_245 = arith.constant 0 : i32
      %dma_wait3A_246 = tpu.memref_slice %arg3[%add3A_244, %dma_wait3A_245] : memref<2048x2048xi32, #tpu.memory_space<hbm>> -> memref<1x2048xi32, #tpu.memory_space<hbm>>
      %dma_wait3A_247 = tpu.memref_squeeze %dma_wait3A_246 : memref<1x2048xi32, #tpu.memory_space<hbm>> -> memref<2048xi32, #tpu.memory_space<hbm>>
      %dma_wait3A_248 = arith.constant 0 : i32
      %dma_wait3A_249 = tpu.memref_slice %arg3[%add3A_244, %dma_wait3A_248] : memref<2048x2048xi32, #tpu.memory_space<hbm>> -> memref<1x2048xi32, #tpu.memory_space<hbm>>
      %dma_wait3A_250 = tpu.memref_squeeze %dma_wait3A_249 : memref<1x2048xi32, #tpu.memory_space<hbm>> -> memref<2048xi32, #tpu.memory_space<hbm>>
      tpu.wait_dma2 semaphore(%arg8 : memref<!tpu.dma_semaphore, #tpu.memory_space<semaphore_mem>>) src(%arg6 : memref<2048xi32, #tpu.memory_space<vmem>>) dst(%dma_wait3A_250 : memref<2048xi32, #tpu.memory_space<hbm>>)
      %sub3A_251 = arith.constant 2 : i32
      %sub3A_252 = arith.subi %add3A_242, %sub3A_251 : i32
      %get3A_253 = arith.index_cast %sub3A_252 : i32 to index
      %get3A_254 = arith.constant 0 : index
      %get3A_255 = tpu.vector_load %arg4[%get3A_253, %get3A_254] {strides = array<i32>} : memref<64x64xi32, #tpu.memory_space<vmem>>, vector<16xi32>,
      %get3A_256 = arith.index_cast %sub3A_252 : i32 to index
      %get3A_257 = arith.constant 16 : index
      %get3A_258 = tpu.vector_load %arg4[%get3A_256, %get3A_257] {strides = array<i32>} : memref<64x64xi32, #tpu.memory_space<vmem>>, vector<16xi32>,
      %and3A_259 = arith.constant 2047 : i32
      %and3A_260 = vector.broadcast %and3A_259 : i32 to vector<16xi32>
      %and3A_261 = arith.andi %get3A_255, %and3A_260 : vector<16xi32>
      tpu.vector_store_idx %arg6[%and3A_261], %broadcast_in_dim3A_5 : memref<2048xi32, #tpu.memory_space<vmem>>[vector<16xi32>], vector<16xi32>,
      %and3A_262 = arith.constant 2047 : i32
      %and3A_263 = vector.broadcast %and3A_262 : i32 to vector<16xi32>
      %and3A_264 = arith.andi %get3A_258, %and3A_263 : vector<16xi32>
      tpu.vector_store_idx %arg6[%and3A_264], %broadcast_in_dim3A_5 : memref<2048xi32, #tpu.memory_space<vmem>>[vector<16xi32>], vector<16xi32>,
      %get3A_265 = arith.index_cast %add3A_242 : i32 to index
      %get3A_266 = arith.constant 0 : index
      %get3A_267 = tpu.vector_load %arg4[%get3A_265, %get3A_266] {strides = array<i32>} : memref<64x64xi32, #tpu.memory_space<vmem>>, vector<16xi32>,
      %get3A_268 = arith.index_cast %add3A_242 : i32 to index
      %get3A_269 = arith.constant 16 : index
      %get3A_270 = tpu.vector_load %arg4[%get3A_268, %get3A_269] {strides = array<i32>} : memref<64x64xi32, #tpu.memory_space<vmem>>, vector<16xi32>,
      %get3A_271 = arith.index_cast %add3A_242 : i32 to index
      %get3A_272 = arith.constant 32 : index
      %get3A_273 = tpu.vector_load %arg4[%get3A_271, %get3A_272] {strides = array<i32>} : memref<64x64xi32, #tpu.memory_space<vmem>>, vector<16xi32>,
      %bitcast3A_274 = vector.bitcast %get3A_273 : vector<16xi32> to vector<16xf32>
      %get3A_275 = arith.index_cast %add3A_242 : i32 to index
      %get3A_276 = arith.constant 48 : index
      %get3A_277 = tpu.vector_load %arg4[%get3A_275, %get3A_276] {strides = array<i32>} : memref<64x64xi32, #tpu.memory_space<vmem>>, vector<16xi32>,
      %bitcast3A_278 = vector.bitcast %get3A_277 : vector<16xi32> to vector<16xf32>
      tpu.vector_store_idx %arg5[%get3A_267], %bitcast3A_274 {add = true} : memref<4096xf32, #tpu.memory_space<vmem>>[vector<16xi32>], vector<16xf32>,
      tpu.vector_store_idx %arg5[%get3A_270], %bitcast3A_278 {add = true} : memref<4096xf32, #tpu.memory_space<vmem>>[vector<16xi32>], vector<16xf32>,
      %gather3A_279 = tpu.vector_load_idx %arg5[%get3A_267] : memref<4096xf32, #tpu.memory_space<vmem>>[vector<16xi32>], vector<16xf32>,
      tpu.vector_store_idx %arg5[%get3A_267], %broadcast_in_dim3A_3 : memref<4096xf32, #tpu.memory_space<vmem>>[vector<16xi32>], vector<16xf32>,
      %bitcast3A_280 = vector.bitcast %gather3A_279 : vector<16xf32> to vector<16xi32>
      %shift_right_arithmetic3A_281 = arith.constant 16 : i32
      %shift_right_arithmetic3A_282 = vector.broadcast %shift_right_arithmetic3A_281 : i32 to vector<16xi32>
      %shift_right_arithmetic3A_283 = arith.shrsi %bitcast3A_280, %shift_right_arithmetic3A_282 : vector<16xi32>
      %and3A_284 = arith.constant 1 : i32
      %and3A_285 = vector.broadcast %and3A_284 : i32 to vector<16xi32>
      %and3A_286 = arith.andi %shift_right_arithmetic3A_283, %and3A_285 : vector<16xi32>
      %add3A_287 = arith.constant 32767 : i32
      %add3A_288 = vector.broadcast %add3A_287 : i32 to vector<16xi32>
      %add3A_289 = arith.addi %bitcast3A_280, %add3A_288 : vector<16xi32>
      %add3A_290 = arith.addi %add3A_289, %and3A_286 : vector<16xi32>
      %shift_right_arithmetic3A_291 = arith.constant 16 : i32
      %shift_right_arithmetic3A_292 = vector.broadcast %shift_right_arithmetic3A_291 : i32 to vector<16xi32>
      %shift_right_arithmetic3A_293 = arith.shrsi %add3A_290, %shift_right_arithmetic3A_292 : vector<16xi32>
      %and3A_294 = arith.constant 65535 : i32
      %and3A_295 = vector.broadcast %and3A_294 : i32 to vector<16xi32>
      %and3A_296 = arith.andi %shift_right_arithmetic3A_293, %and3A_295 : vector<16xi32>
      %and3A_297 = arith.constant 2047 : i32
      %and3A_298 = vector.broadcast %and3A_297 : i32 to vector<16xi32>
      %and3A_299 = arith.andi %get3A_267, %and3A_298 : vector<16xi32>
      %shift_right_arithmetic3A_300 = arith.constant 11 : i32
      %shift_right_arithmetic3A_301 = vector.broadcast %shift_right_arithmetic3A_300 : i32 to vector<16xi32>
      %shift_right_arithmetic3A_302 = arith.shrsi %get3A_267, %shift_right_arithmetic3A_301 : vector<16xi32>
      %eq3A_303 = arith.constant 1 : i32
      %eq3A_304 = vector.broadcast %eq3A_303 : i32 to vector<16xi32>
      %eq3A_305 = arith.cmpi eq, %shift_right_arithmetic3A_302, %eq3A_304 : vector<16xi32>
      %shift_left3A_306 = arith.constant 16 : i32
      %shift_left3A_307 = vector.broadcast %shift_left3A_306 : i32 to vector<16xi32>
      %shift_left3A_308 = arith.shli %and3A_296, %shift_left3A_307 : vector<16xi32>
      %select_n3A_309 = arith.select %eq3A_305, %shift_left3A_308, %and3A_296 : vector<16xi1>, vector<16xi32>
      %eq3A_310 = arith.constant 0 : i32
      %eq3A_311 = vector.broadcast %eq3A_310 : i32 to vector<16xi32>
      %eq3A_312 = arith.cmpi eq, %shift_right_arithmetic3A_302, %eq3A_311 : vector<16xi32>
      %gather3A_313 = tpu.vector_load_idx %arg6[%and3A_299] : memref<2048xi32, #tpu.memory_space<vmem>>[vector<16xi32>], vector<16xi32>,
      %or3A_314 = arith.ori %gather3A_313, %select_n3A_309 : vector<16xi32>
      tpu.vector_store_idx %arg6[%and3A_299], %or3A_314 masked %eq3A_312 : memref<2048xi32, #tpu.memory_space<vmem>>[vector<16xi32>], vector<16xi32>, vector<16xi1>
      %eq3A_315 = arith.constant 1 : i32
      %eq3A_316 = vector.broadcast %eq3A_315 : i32 to vector<16xi32>
      %eq3A_317 = arith.cmpi eq, %shift_right_arithmetic3A_302, %eq3A_316 : vector<16xi32>
      %gather3A_318 = tpu.vector_load_idx %arg6[%and3A_299] : memref<2048xi32, #tpu.memory_space<vmem>>[vector<16xi32>], vector<16xi32>,
      %or3A_319 = arith.ori %gather3A_318, %select_n3A_309 : vector<16xi32>
      tpu.vector_store_idx %arg6[%and3A_299], %or3A_319 masked %eq3A_317 : memref<2048xi32, #tpu.memory_space<vmem>>[vector<16xi32>], vector<16xi32>, vector<16xi1>
      %gather3A_320 = tpu.vector_load_idx %arg5[%get3A_270] : memref<4096xf32, #tpu.memory_space<vmem>>[vector<16xi32>], vector<16xf32>,
      tpu.vector_store_idx %arg5[%get3A_270], %broadcast_in_dim3A_3 : memref<4096xf32, #tpu.memory_space<vmem>>[vector<16xi32>], vector<16xf32>,
      %bitcast3A_321 = vector.bitcast %gather3A_320 : vector<16xf32> to vector<16xi32>
      %shift_right_arithmetic3A_322 = arith.constant 16 : i32
      %shift_right_arithmetic3A_323 = vector.broadcast %shift_right_arithmetic3A_322 : i32 to vector<16xi32>
      %shift_right_arithmetic3A_324 = arith.shrsi %bitcast3A_321, %shift_right_arithmetic3A_323 : vector<16xi32>
      %and3A_325 = arith.constant 1 : i32
      %and3A_326 = vector.broadcast %and3A_325 : i32 to vector<16xi32>
      %and3A_327 = arith.andi %shift_right_arithmetic3A_324, %and3A_326 : vector<16xi32>
      %add3A_328 = arith.constant 32767 : i32
      %add3A_329 = vector.broadcast %add3A_328 : i32 to vector<16xi32>
      %add3A_330 = arith.addi %bitcast3A_321, %add3A_329 : vector<16xi32>
      %add3A_331 = arith.addi %add3A_330, %and3A_327 : vector<16xi32>
      %shift_right_arithmetic3A_332 = arith.constant 16 : i32
      %shift_right_arithmetic3A_333 = vector.broadcast %shift_right_arithmetic3A_332 : i32 to vector<16xi32>
      %shift_right_arithmetic3A_334 = arith.shrsi %add3A_331, %shift_right_arithmetic3A_333 : vector<16xi32>
      %and3A_335 = arith.constant 65535 : i32
      %and3A_336 = vector.broadcast %and3A_335 : i32 to vector<16xi32>
      %and3A_337 = arith.andi %shift_right_arithmetic3A_334, %and3A_336 : vector<16xi32>
      %and3A_338 = arith.constant 2047 : i32
      %and3A_339 = vector.broadcast %and3A_338 : i32 to vector<16xi32>
      %and3A_340 = arith.andi %get3A_270, %and3A_339 : vector<16xi32>
      %shift_right_arithmetic3A_341 = arith.constant 11 : i32
      %shift_right_arithmetic3A_342 = vector.broadcast %shift_right_arithmetic3A_341 : i32 to vector<16xi32>
      %shift_right_arithmetic3A_343 = arith.shrsi %get3A_270, %shift_right_arithmetic3A_342 : vector<16xi32>
      %eq3A_344 = arith.constant 1 : i32
      %eq3A_345 = vector.broadcast %eq3A_344 : i32 to vector<16xi32>
      %eq3A_346 = arith.cmpi eq, %shift_right_arithmetic3A_343, %eq3A_345 : vector<16xi32>
      %shift_left3A_347 = arith.constant 16 : i32
      %shift_left3A_348 = vector.broadcast %shift_left3A_347 : i32 to vector<16xi32>
      %shift_left3A_349 = arith.shli %and3A_337, %shift_left3A_348 : vector<16xi32>
      %select_n3A_350 = arith.select %eq3A_346, %shift_left3A_349, %and3A_337 : vector<16xi1>, vector<16xi32>
      %eq3A_351 = arith.constant 0 : i32
      %eq3A_352 = vector.broadcast %eq3A_351 : i32 to vector<16xi32>
      %eq3A_353 = arith.cmpi eq, %shift_right_arithmetic3A_343, %eq3A_352 : vector<16xi32>
      %gather3A_354 = tpu.vector_load_idx %arg6[%and3A_340] : memref<2048xi32, #tpu.memory_space<vmem>>[vector<16xi32>], vector<16xi32>,
      %or3A_355 = arith.ori %gather3A_354, %select_n3A_350 : vector<16xi32>
      tpu.vector_store_idx %arg6[%and3A_340], %or3A_355 masked %eq3A_353 : memref<2048xi32, #tpu.memory_space<vmem>>[vector<16xi32>], vector<16xi32>, vector<16xi1>
      %eq3A_356 = arith.constant 1 : i32
      %eq3A_357 = vector.broadcast %eq3A_356 : i32 to vector<16xi32>
      %eq3A_358 = arith.cmpi eq, %shift_right_arithmetic3A_343, %eq3A_357 : vector<16xi32>
      %gather3A_359 = tpu.vector_load_idx %arg6[%and3A_340] : memref<2048xi32, #tpu.memory_space<vmem>>[vector<16xi32>], vector<16xi32>,
      %or3A_360 = arith.ori %gather3A_359, %select_n3A_350 : vector<16xi32>
      tpu.vector_store_idx %arg6[%and3A_340], %or3A_360 masked %eq3A_358 : memref<2048xi32, #tpu.memory_space<vmem>>[vector<16xi32>], vector<16xi32>, vector<16xi1>
      %add3A_361 = arith.addi %mul3A_2, %add3A_242 : i32
      %dma_start3A_362 = arith.constant 0 : i32
      %dma_start3A_363 = tpu.memref_slice %arg3[%add3A_361, %dma_start3A_362] : memref<2048x2048xi32, #tpu.memory_space<hbm>> -> memref<1x2048xi32, #tpu.memory_space<hbm>>
      %dma_start3A_364 = tpu.memref_squeeze %dma_start3A_363 : memref<1x2048xi32, #tpu.memory_space<hbm>> -> memref<2048xi32, #tpu.memory_space<hbm>>
      %dma_start3A_365 = arith.constant 0 : i32
      %dma_start3A_366 = tpu.memref_slice %arg3[%add3A_361, %dma_start3A_365] : memref<2048x2048xi32, #tpu.memory_space<hbm>> -> memref<1x2048xi32, #tpu.memory_space<hbm>>
      %dma_start3A_367 = tpu.memref_squeeze %dma_start3A_366 : memref<1x2048xi32, #tpu.memory_space<hbm>> -> memref<2048xi32, #tpu.memory_space<hbm>>
      tpu.enqueue_dma source(%arg6 : memref<2048xi32, #tpu.memory_space<vmem>>) target(%dma_start3A_367 : memref<2048xi32, #tpu.memory_space<hbm>>) target_semaphore(%arg8 : memref<!tpu.dma_semaphore, #tpu.memory_space<semaphore_mem>>)
      %add3A_368 = arith.constant 1 : i32
      %add3A_369 = arith.addi %add3A_240, %add3A_368 : i32
      %sub3A_370 = arith.constant 2 : i32
      %sub3A_371 = arith.subi %add3A_369, %sub3A_370 : i32
      %add3A_372 = arith.addi %mul3A_2, %sub3A_371 : i32
      %dma_wait3A_373 = arith.constant 0 : i32
      %dma_wait3A_374 = tpu.memref_slice %arg3[%add3A_372, %dma_wait3A_373] : memref<2048x2048xi32, #tpu.memory_space<hbm>> -> memref<1x2048xi32, #tpu.memory_space<hbm>>
      %dma_wait3A_375 = tpu.memref_squeeze %dma_wait3A_374 : memref<1x2048xi32, #tpu.memory_space<hbm>> -> memref<2048xi32, #tpu.memory_space<hbm>>
      %dma_wait3A_376 = arith.constant 0 : i32
      %dma_wait3A_377 = tpu.memref_slice %arg3[%add3A_372, %dma_wait3A_376] : memref<2048x2048xi32, #tpu.memory_space<hbm>> -> memref<1x2048xi32, #tpu.memory_space<hbm>>
      %dma_wait3A_378 = tpu.memref_squeeze %dma_wait3A_377 : memref<1x2048xi32, #tpu.memory_space<hbm>> -> memref<2048xi32, #tpu.memory_space<hbm>>
      tpu.wait_dma2 semaphore(%arg9 : memref<!tpu.dma_semaphore, #tpu.memory_space<semaphore_mem>>) src(%arg7 : memref<2048xi32, #tpu.memory_space<vmem>>) dst(%dma_wait3A_378 : memref<2048xi32, #tpu.memory_space<hbm>>)
      %sub3A_379 = arith.constant 2 : i32
      %sub3A_380 = arith.subi %add3A_369, %sub3A_379 : i32
      %get3A_381 = arith.index_cast %sub3A_380 : i32 to index
      %get3A_382 = arith.constant 0 : index
      %get3A_383 = tpu.vector_load %arg4[%get3A_381, %get3A_382] {strides = array<i32>} : memref<64x64xi32, #tpu.memory_space<vmem>>, vector<16xi32>,
      %get3A_384 = arith.index_cast %sub3A_380 : i32 to index
      %get3A_385 = arith.constant 16 : index
      %get3A_386 = tpu.vector_load %arg4[%get3A_384, %get3A_385] {strides = array<i32>} : memref<64x64xi32, #tpu.memory_space<vmem>>, vector<16xi32>,
      %and3A_387 = arith.constant 2047 : i32
      %and3A_388 = vector.broadcast %and3A_387 : i32 to vector<16xi32>
      %and3A_389 = arith.andi %get3A_383, %and3A_388 : vector<16xi32>
      tpu.vector_store_idx %arg7[%and3A_389], %broadcast_in_dim3A_5 : memref<2048xi32, #tpu.memory_space<vmem>>[vector<16xi32>], vector<16xi32>,
      %and3A_390 = arith.constant 2047 : i32
      %and3A_391 = vector.broadcast %and3A_390 : i32 to vector<16xi32>
      %and3A_392 = arith.andi %get3A_386, %and3A_391 : vector<16xi32>
      tpu.vector_store_idx %arg7[%and3A_392], %broadcast_in_dim3A_5 : memref<2048xi32, #tpu.memory_space<vmem>>[vector<16xi32>], vector<16xi32>,
      %get3A_393 = arith.index_cast %add3A_369 : i32 to index
      %get3A_394 = arith.constant 0 : index
      %get3A_395 = tpu.vector_load %arg4[%get3A_393, %get3A_394] {strides = array<i32>} : memref<64x64xi32, #tpu.memory_space<vmem>>, vector<16xi32>,
      %get3A_396 = arith.index_cast %add3A_369 : i32 to index
      %get3A_397 = arith.constant 16 : index
      %get3A_398 = tpu.vector_load %arg4[%get3A_396, %get3A_397] {strides = array<i32>} : memref<64x64xi32, #tpu.memory_space<vmem>>, vector<16xi32>,
      %get3A_399 = arith.index_cast %add3A_369 : i32 to index
      %get3A_400 = arith.constant 32 : index
      %get3A_401 = tpu.vector_load %arg4[%get3A_399, %get3A_400] {strides = array<i32>} : memref<64x64xi32, #tpu.memory_space<vmem>>, vector<16xi32>,
      %bitcast3A_402 = vector.bitcast %get3A_401 : vector<16xi32> to vector<16xf32>
      %get3A_403 = arith.index_cast %add3A_369 : i32 to index
      %get3A_404 = arith.constant 48 : index
      %get3A_405 = tpu.vector_load %arg4[%get3A_403, %get3A_404] {strides = array<i32>} : memref<64x64xi32, #tpu.memory_space<vmem>>, vector<16xi32>,
      %bitcast3A_406 = vector.bitcast %get3A_405 : vector<16xi32> to vector<16xf32>
      tpu.vector_store_idx %arg5[%get3A_395], %bitcast3A_402 {add = true} : memref<4096xf32, #tpu.memory_space<vmem>>[vector<16xi32>], vector<16xf32>,
      tpu.vector_store_idx %arg5[%get3A_398], %bitcast3A_406 {add = true} : memref<4096xf32, #tpu.memory_space<vmem>>[vector<16xi32>], vector<16xf32>,
      %gather3A_407 = tpu.vector_load_idx %arg5[%get3A_395] : memref<4096xf32, #tpu.memory_space<vmem>>[vector<16xi32>], vector<16xf32>,
      tpu.vector_store_idx %arg5[%get3A_395], %broadcast_in_dim3A_3 : memref<4096xf32, #tpu.memory_space<vmem>>[vector<16xi32>], vector<16xf32>,
      %bitcast3A_408 = vector.bitcast %gather3A_407 : vector<16xf32> to vector<16xi32>
      %shift_right_arithmetic3A_409 = arith.constant 16 : i32
      %shift_right_arithmetic3A_410 = vector.broadcast %shift_right_arithmetic3A_409 : i32 to vector<16xi32>
      %shift_right_arithmetic3A_411 = arith.shrsi %bitcast3A_408, %shift_right_arithmetic3A_410 : vector<16xi32>
      %and3A_412 = arith.constant 1 : i32
      %and3A_413 = vector.broadcast %and3A_412 : i32 to vector<16xi32>
      %and3A_414 = arith.andi %shift_right_arithmetic3A_411, %and3A_413 : vector<16xi32>
      %add3A_415 = arith.constant 32767 : i32
      %add3A_416 = vector.broadcast %add3A_415 : i32 to vector<16xi32>
      %add3A_417 = arith.addi %bitcast3A_408, %add3A_416 : vector<16xi32>
      %add3A_418 = arith.addi %add3A_417, %and3A_414 : vector<16xi32>
      %shift_right_arithmetic3A_419 = arith.constant 16 : i32
      %shift_right_arithmetic3A_420 = vector.broadcast %shift_right_arithmetic3A_419 : i32 to vector<16xi32>
      %shift_right_arithmetic3A_421 = arith.shrsi %add3A_418, %shift_right_arithmetic3A_420 : vector<16xi32>
      %and3A_422 = arith.constant 65535 : i32
      %and3A_423 = vector.broadcast %and3A_422 : i32 to vector<16xi32>
      %and3A_424 = arith.andi %shift_right_arithmetic3A_421, %and3A_423 : vector<16xi32>
      %and3A_425 = arith.constant 2047 : i32
      %and3A_426 = vector.broadcast %and3A_425 : i32 to vector<16xi32>
      %and3A_427 = arith.andi %get3A_395, %and3A_426 : vector<16xi32>
      %shift_right_arithmetic3A_428 = arith.constant 11 : i32
      %shift_right_arithmetic3A_429 = vector.broadcast %shift_right_arithmetic3A_428 : i32 to vector<16xi32>
      %shift_right_arithmetic3A_430 = arith.shrsi %get3A_395, %shift_right_arithmetic3A_429 : vector<16xi32>
      %eq3A_431 = arith.constant 1 : i32
      %eq3A_432 = vector.broadcast %eq3A_431 : i32 to vector<16xi32>
      %eq3A_433 = arith.cmpi eq, %shift_right_arithmetic3A_430, %eq3A_432 : vector<16xi32>
      %shift_left3A_434 = arith.constant 16 : i32
      %shift_left3A_435 = vector.broadcast %shift_left3A_434 : i32 to vector<16xi32>
      %shift_left3A_436 = arith.shli %and3A_424, %shift_left3A_435 : vector<16xi32>
      %select_n3A_437 = arith.select %eq3A_433, %shift_left3A_436, %and3A_424 : vector<16xi1>, vector<16xi32>
      %eq3A_438 = arith.constant 0 : i32
      %eq3A_439 = vector.broadcast %eq3A_438 : i32 to vector<16xi32>
      %eq3A_440 = arith.cmpi eq, %shift_right_arithmetic3A_430, %eq3A_439 : vector<16xi32>
      %gather3A_441 = tpu.vector_load_idx %arg7[%and3A_427] : memref<2048xi32, #tpu.memory_space<vmem>>[vector<16xi32>], vector<16xi32>,
      %or3A_442 = arith.ori %gather3A_441, %select_n3A_437 : vector<16xi32>
      tpu.vector_store_idx %arg7[%and3A_427], %or3A_442 masked %eq3A_440 : memref<2048xi32, #tpu.memory_space<vmem>>[vector<16xi32>], vector<16xi32>, vector<16xi1>
      %eq3A_443 = arith.constant 1 : i32
      %eq3A_444 = vector.broadcast %eq3A_443 : i32 to vector<16xi32>
      %eq3A_445 = arith.cmpi eq, %shift_right_arithmetic3A_430, %eq3A_444 : vector<16xi32>
      %gather3A_446 = tpu.vector_load_idx %arg7[%and3A_427] : memref<2048xi32, #tpu.memory_space<vmem>>[vector<16xi32>], vector<16xi32>,
      %or3A_447 = arith.ori %gather3A_446, %select_n3A_437 : vector<16xi32>
      tpu.vector_store_idx %arg7[%and3A_427], %or3A_447 masked %eq3A_445 : memref<2048xi32, #tpu.memory_space<vmem>>[vector<16xi32>], vector<16xi32>, vector<16xi1>
      %gather3A_448 = tpu.vector_load_idx %arg5[%get3A_398] : memref<4096xf32, #tpu.memory_space<vmem>>[vector<16xi32>], vector<16xf32>,
      tpu.vector_store_idx %arg5[%get3A_398], %broadcast_in_dim3A_3 : memref<4096xf32, #tpu.memory_space<vmem>>[vector<16xi32>], vector<16xf32>,
      %bitcast3A_449 = vector.bitcast %gather3A_448 : vector<16xf32> to vector<16xi32>
      %shift_right_arithmetic3A_450 = arith.constant 16 : i32
      %shift_right_arithmetic3A_451 = vector.broadcast %shift_right_arithmetic3A_450 : i32 to vector<16xi32>
      %shift_right_arithmetic3A_452 = arith.shrsi %bitcast3A_449, %shift_right_arithmetic3A_451 : vector<16xi32>
      %and3A_453 = arith.constant 1 : i32
      %and3A_454 = vector.broadcast %and3A_453 : i32 to vector<16xi32>
      %and3A_455 = arith.andi %shift_right_arithmetic3A_452, %and3A_454 : vector<16xi32>
      %add3A_456 = arith.constant 32767 : i32
      %add3A_457 = vector.broadcast %add3A_456 : i32 to vector<16xi32>
      %add3A_458 = arith.addi %bitcast3A_449, %add3A_457 : vector<16xi32>
      %add3A_459 = arith.addi %add3A_458, %and3A_455 : vector<16xi32>
      %shift_right_arithmetic3A_460 = arith.constant 16 : i32
      %shift_right_arithmetic3A_461 = vector.broadcast %shift_right_arithmetic3A_460 : i32 to vector<16xi32>
      %shift_right_arithmetic3A_462 = arith.shrsi %add3A_459, %shift_right_arithmetic3A_461 : vector<16xi32>
      %and3A_463 = arith.constant 65535 : i32
      %and3A_464 = vector.broadcast %and3A_463 : i32 to vector<16xi32>
      %and3A_465 = arith.andi %shift_right_arithmetic3A_462, %and3A_464 : vector<16xi32>
      %and3A_466 = arith.constant 2047 : i32
      %and3A_467 = vector.broadcast %and3A_466 : i32 to vector<16xi32>
      %and3A_468 = arith.andi %get3A_398, %and3A_467 : vector<16xi32>
      %shift_right_arithmetic3A_469 = arith.constant 11 : i32
      %shift_right_arithmetic3A_470 = vector.broadcast %shift_right_arithmetic3A_469 : i32 to vector<16xi32>
      %shift_right_arithmetic3A_471 = arith.shrsi %get3A_398, %shift_right_arithmetic3A_470 : vector<16xi32>
      %eq3A_472 = arith.constant 1 : i32
      %eq3A_473 = vector.broadcast %eq3A_472 : i32 to vector<16xi32>
      %eq3A_474 = arith.cmpi eq, %shift_right_arithmetic3A_471, %eq3A_473 : vector<16xi32>
      %shift_left3A_475 = arith.constant 16 : i32
      %shift_left3A_476 = vector.broadcast %shift_left3A_475 : i32 to vector<16xi32>
      %shift_left3A_477 = arith.shli %and3A_465, %shift_left3A_476 : vector<16xi32>
      %select_n3A_478 = arith.select %eq3A_474, %shift_left3A_477, %and3A_465 : vector<16xi1>, vector<16xi32>
      %eq3A_479 = arith.constant 0 : i32
      %eq3A_480 = vector.broadcast %eq3A_479 : i32 to vector<16xi32>
      %eq3A_481 = arith.cmpi eq, %shift_right_arithmetic3A_471, %eq3A_480 : vector<16xi32>
      %gather3A_482 = tpu.vector_load_idx %arg7[%and3A_468] : memref<2048xi32, #tpu.memory_space<vmem>>[vector<16xi32>], vector<16xi32>,
      %or3A_483 = arith.ori %gather3A_482, %select_n3A_478 : vector<16xi32>
      tpu.vector_store_idx %arg7[%and3A_468], %or3A_483 masked %eq3A_481 : memref<2048xi32, #tpu.memory_space<vmem>>[vector<16xi32>], vector<16xi32>, vector<16xi1>
      %eq3A_484 = arith.constant 1 : i32
      %eq3A_485 = vector.broadcast %eq3A_484 : i32 to vector<16xi32>
      %eq3A_486 = arith.cmpi eq, %shift_right_arithmetic3A_471, %eq3A_485 : vector<16xi32>
      %gather3A_487 = tpu.vector_load_idx %arg7[%and3A_468] : memref<2048xi32, #tpu.memory_space<vmem>>[vector<16xi32>], vector<16xi32>,
      %or3A_488 = arith.ori %gather3A_487, %select_n3A_478 : vector<16xi32>
      tpu.vector_store_idx %arg7[%and3A_468], %or3A_488 masked %eq3A_486 : memref<2048xi32, #tpu.memory_space<vmem>>[vector<16xi32>], vector<16xi32>, vector<16xi1>
      %add3A_489 = arith.addi %mul3A_2, %add3A_369 : i32
      %dma_start3A_490 = arith.constant 0 : i32
      %dma_start3A_491 = tpu.memref_slice %arg3[%add3A_489, %dma_start3A_490] : memref<2048x2048xi32, #tpu.memory_space<hbm>> -> memref<1x2048xi32, #tpu.memory_space<hbm>>
      %dma_start3A_492 = tpu.memref_squeeze %dma_start3A_491 : memref<1x2048xi32, #tpu.memory_space<hbm>> -> memref<2048xi32, #tpu.memory_space<hbm>>
      %dma_start3A_493 = arith.constant 0 : i32
      %dma_start3A_494 = tpu.memref_slice %arg3[%add3A_489, %dma_start3A_493] : memref<2048x2048xi32, #tpu.memory_space<hbm>> -> memref<1x2048xi32, #tpu.memory_space<hbm>>
      %dma_start3A_495 = tpu.memref_squeeze %dma_start3A_494 : memref<1x2048xi32, #tpu.memory_space<hbm>> -> memref<2048xi32, #tpu.memory_space<hbm>>
      tpu.enqueue_dma source(%arg7 : memref<2048xi32, #tpu.memory_space<vmem>>) target(%dma_start3A_495 : memref<2048xi32, #tpu.memory_space<hbm>>) target_semaphore(%arg9 : memref<!tpu.dma_semaphore, #tpu.memory_space<semaphore_mem>>)
    }
    %scan3A_220 = arith.constant 31 : i32
    %add3A_221 = arith.constant 62 : i32
    %add3A_222 = arith.addi %mul3A_2, %add3A_221 : i32
    %dma_wait3A = arith.constant 0 : i32
    %dma_wait3A_223 = tpu.memref_slice %arg3[%add3A_222, %dma_wait3A] : memref<2048x2048xi32, #tpu.memory_space<hbm>> -> memref<1x2048xi32, #tpu.memory_space<hbm>>
    %dma_wait3A_224 = tpu.memref_squeeze %dma_wait3A_223 : memref<1x2048xi32, #tpu.memory_space<hbm>> -> memref<2048xi32, #tpu.memory_space<hbm>>
    %dma_wait3A_225 = arith.constant 0 : i32
    %dma_wait3A_226 = tpu.memref_slice %arg3[%add3A_222, %dma_wait3A_225] : memref<2048x2048xi32, #tpu.memory_space<hbm>> -> memref<1x2048xi32, #tpu.memory_space<hbm>>
    %dma_wait3A_227 = tpu.memref_squeeze %dma_wait3A_226 : memref<1x2048xi32, #tpu.memory_space<hbm>> -> memref<2048xi32, #tpu.memory_space<hbm>>
    tpu.wait_dma2 semaphore(%arg8 : memref<!tpu.dma_semaphore, #tpu.memory_space<semaphore_mem>>) src(%arg6 : memref<2048xi32, #tpu.memory_space<vmem>>) dst(%dma_wait3A_227 : memref<2048xi32, #tpu.memory_space<hbm>>)
    %add3A_228 = arith.constant 63 : i32
    %add3A_229 = arith.addi %mul3A_2, %add3A_228 : i32
    %dma_wait3A_230 = arith.constant 0 : i32
    %dma_wait3A_231 = tpu.memref_slice %arg3[%add3A_229, %dma_wait3A_230] : memref<2048x2048xi32, #tpu.memory_space<hbm>> -> memref<1x2048xi32, #tpu.memory_space<hbm>>
    %dma_wait3A_232 = tpu.memref_squeeze %dma_wait3A_231 : memref<1x2048xi32, #tpu.memory_space<hbm>> -> memref<2048xi32, #tpu.memory_space<hbm>>
    %dma_wait3A_233 = arith.constant 0 : i32
    %dma_wait3A_234 = tpu.memref_slice %arg3[%add3A_229, %dma_wait3A_233] : memref<2048x2048xi32, #tpu.memory_space<hbm>> -> memref<1x2048xi32, #tpu.memory_space<hbm>>
    %dma_wait3A_235 = tpu.memref_squeeze %dma_wait3A_234 : memref<1x2048xi32, #tpu.memory_space<hbm>> -> memref<2048xi32, #tpu.memory_space<hbm>>
    tpu.wait_dma2 semaphore(%arg9 : memref<!tpu.dma_semaphore, #tpu.memory_space<semaphore_mem>>) src(%arg7 : memref<2048xi32, #tpu.memory_space<vmem>>) dst(%dma_wait3A_235 : memref<2048xi32, #tpu.memory_space<hbm>>)
    return
  }
}

module attributes {stable_mosaic.version = 14 : i64} {
  func.func @body(%arg0: i32, %arg1: memref<1024x4096xf32, #tpu.memory_space<vmem>>, %arg2: memref<256x2048xi32, #tpu.memory_space<vmem>>, %arg3: memref<1x256xf32, #tpu.memory_space<vmem>>, %arg4: memref<1024x256xf32, #tpu.memory_space<vmem>>, %arg5: memref<1024x4096xbf16, #tpu.memory_space<vmem>>) attributes {dimension_semantics = [#tpu.dimension_semantics<arbitrary>], iteration_bounds = array<i64: 8>, scalar_prefetch = 0 : i64, scratch_operands = 1 : i64, tpu.core_type = #tpu.core_type<tc>, window_params = [{pipeline_mode = #tpu.pipeline_mode<synchronous>, transform_indices = @transform_0, window_bounds = array<i64: 1024, 4096>}, {transform_indices = @transform_1, window_bounds = array<i64: 256, 2048>}, {transform_indices = @transform_2, window_bounds = array<i64: 1, 256>}, {transform_indices = @transform_3, window_bounds = array<i64: 1024, 256>}]} {
    %eq3A = arith.constant 0 : i32
    %eq3A_0 = arith.cmpi eq, %arg0, %eq3A : i32
    %convert_element_type3A = arith.extui %eq3A_0 : i1 to i32
    %cond3A = arith.constant 0 : i32
    %cond3A_1 = arith.cmpi ne, %convert_element_type3A, %cond3A : i32
    scf.if %cond3A_1 {
      %get3A_21 = arith.constant 0 : index
      %get3A_22 = arith.constant 0 : index
      %get3A_23 = vector.load %arg1[%get3A_21, %get3A_22] : memref<1024x4096xf32, #tpu.memory_space<vmem>>, vector<1024x4096xf32>
      %convert_element_type3A_24 = arith.truncf %get3A_23 : vector<1024x4096xf32> to vector<1024x4096xbf16>
      %swap3A_25 = arith.constant 0 : index
      %swap3A_26 = arith.constant 0 : index
      %swap3A_27 = vector.load %arg5[%swap3A_25, %swap3A_26] : memref<1024x4096xbf16, #tpu.memory_space<vmem>>, vector<1024x4096xbf16>
      tpu.vector_store %arg5[%swap3A_25, %swap3A_26], %convert_element_type3A_24 {strides = array<i32>} : memref<1024x4096xbf16, #tpu.memory_space<vmem>>, vector<1024x4096xbf16>,
    } else {
    }
    %get3A = arith.constant 0 : index
    %get3A_2 = arith.constant 0 : index
    %get3A_3 = vector.load %arg2[%get3A, %get3A_2] : memref<256x2048xi32, #tpu.memory_space<vmem>>, vector<256x2048xi32>
    %shift_left3A = arith.constant 16 : i32
    %shift_left3A_4 = vector.broadcast %shift_left3A : i32 to vector<256x2048xi32>
    %shift_left3A_5 = arith.shli %get3A_3, %shift_left3A_4 : vector<256x2048xi32>
    %bitcast_convert_type3A = tpu.bitcast %shift_left3A_5 : vector<256x2048xi32> -> vector<256x2048xf32>
    %and3A = arith.constant -65536 : i32
    %and3A_6 = vector.broadcast %and3A : i32 to vector<256x2048xi32>
    %and3A_7 = arith.andi %get3A_3, %and3A_6 : vector<256x2048xi32>
    %bitcast_convert_type3A_8 = tpu.bitcast %and3A_7 : vector<256x2048xi32> -> vector<256x2048xf32>
    %convert_element_type3A_9 = arith.truncf %bitcast_convert_type3A : vector<256x2048xf32> to vector<256x2048xbf16>
    %convert_element_type3A_10 = arith.truncf %bitcast_convert_type3A_8 : vector<256x2048xf32> to vector<256x2048xbf16>
    %concatenate3A = tpu.concatenate %convert_element_type3A_9, %convert_element_type3A_10 in 1 : vector<256x2048xbf16>, vector<256x2048xbf16> -> vector<256x4096xbf16>
    %get3A_11 = arith.constant 0 : index
    %get3A_12 = arith.constant 0 : index
    %get3A_13 = vector.load %arg5[%get3A_11, %get3A_12] : memref<1024x4096xbf16, #tpu.memory_space<vmem>>, vector<1024x4096xbf16>
    %dot_general3A = arith.constant dense<0.000000e+00> : vector<1024x256xf32>
    %dot_general3A_14 = tpu.matmul %get3A_13, %concatenate3A, %dot_general3A {dimension_numbers = #tpu.dot_dimension_numbers<[1], [1], [0], [0], [0, 0, 1, 0], [], []>, transpose_lhs_hint = false} : vector<1024x4096xbf16>, vector<256x4096xbf16>, vector<1024x256xf32> -> vector<1024x256xf32>
    %get3A_15 = arith.constant 0 : index
    %get3A_16 = arith.constant 0 : index
    %get3A_17 = vector.load %arg3[%get3A_15, %get3A_16] : memref<1x256xf32, #tpu.memory_space<vmem>>, vector<1x256xf32>
    %add3A = vector.broadcast %get3A_17 : vector<1x256xf32> to vector<1024x256xf32>
    %add3A_18 = arith.addf %dot_general3A_14, %add3A : vector<1024x256xf32>
    %swap3A = arith.constant 0 : index
    %swap3A_19 = arith.constant 0 : index
    %swap3A_20 = vector.load %arg4[%swap3A, %swap3A_19] : memref<1024x256xf32, #tpu.memory_space<vmem>>, vector<1024x256xf32>
    tpu.vector_store %arg4[%swap3A, %swap3A_19], %add3A_18 {strides = array<i32>} : memref<1024x256xf32, #tpu.memory_space<vmem>>, vector<1024x256xf32>,
    return
  }
  func.func @transform_0(%arg0: i32) -> (i32, i32) {
    %c0_i32 = arith.constant 0 : i32
    %c0_i32_0 = arith.constant 0 : i32
    %c0_i32_1 = arith.constant 0 : i32
    return %c0_i32, %c0_i32_0 : i32, i32
  }
  func.func @transform_1(%arg0: i32) -> (i32, i32) {
    %c0_i32 = arith.constant 0 : i32
    %c0_i32_0 = arith.constant 0 : i32
    return %arg0, %c0_i32 : i32, i32
  }
  func.func @transform_2(%arg0: i32) -> (i32, i32) {
    %c0_i32 = arith.constant 0 : i32
    %c0_i32_0 = arith.constant 0 : i32
    return %c0_i32, %arg0 : i32, i32
  }
  func.func @transform_3(%arg0: i32) -> (i32, i32) {
    %c0_i32 = arith.constant 0 : i32
    %c0_i32_0 = arith.constant 0 : i32
    return %c0_i32, %arg0 : i32, i32
  }
}

</mosaic_0001>

<sc_bundles>
// kernel: kernel.4.cloned.1.call-start
scs
__scs_entry_jumppad:
0x0: {  	(pc) =	sbr.rel $0x88, $3  }
0x1: {  	(tag) =	ssettag $0x0;
	lr =	simm.s32 $0x1  }
0x2: {  	[smem:$0x3F9D] =	sst lr;
	_ =	strace $0xD0000000  }
0x3: {  	_ = 	snop  }
0x4: {  	_ = 	snop  }
0x5: {  	_ = 	snop  }
0x6: {  	_ = 	snop  }
0x7: {  	_ = 	snop  }
__scs_overlays_trampoline_lowered:
0x8: {  	[smem:$0x3FAC] =	sst s0  }
0x9: {  	[smem:$0x3FAD] =	sst s1  }
0xa: {  	[smem:$0x3FAE] =	sst s2  }
0xb: {  	[smem:$0x3FAF] =	sst s3  }
0xc: {  	[smem:$0x3FB0] =	sst s4  }
0xd: {  	[smem:$0x3FB1] =	sst s5  }
0xe: {  	[smem:$0x3FB2] =	sst s6  }
0xf: {  	[smem:$0x3FB3] =	sst s7  }
0x10: {  	[smem:$0x3FB4] =	sst s8  }
0x11: {  	[smem:$0x3FB5] =	sst s9;
	s0 =	simm.s32 @!p0 $0x0  }
0x12: {  	s1 =	sld [smem:$0x3F9B];
	s0 =	simm.s32 @p0 $0x1  }
0x13: {  	[smem:$0x3FB6] =	sst s0;
	s0 =	simm.s32 @!p1 $0x0  }
0x14: {  	s2 =	sld [smem:$0x3F9A];
	s0 =	simm.s32 @p1 $0x1  }
0x15: {  	[smem:$0x3FB7] =	sst s0;
	s0 =	simm.s32 @!p2 $0x0  }
0x16: {  	s3 =	sld [smem:$0x3FDB];
	s0 =	simm.s32 @p2 $0x1  }
0x17: {  	s4 =	simm.s32 $0x1BF5;
	[smem:$0x3FB9] =	sst s0  }
0x18: {  	s0 =	sld [smem:$0x3F9C];
	_ =	swait.ge [sflag:s4], $0x0  }
0x19: {  	s7 =	sld [smem:$0x3F9D]  }
0x1a: {  	s8 =	sadd.s32 $0xFFFFE003, lr  }
0x1b: {  	s9 =	sadd.s32 $0xFFFFFEF7, lr;
	s5 =	simm.s32 $0xFFFFFFFF;
	p2 =	slt.u32 s8, $0xFFFFF086  }
0x1c: {  	p1 =	slt.u32 s9, $0xF7A;
	s5 =	simm.s32 @!p2 $0x0  }
0x1d: {  	s5 =	simm.s32 @p1 $0x1;
	p0 =	seq.s32 s7, s2  }
0x1e: {  	s7 =	smul.u32 @!p0 $0xF7A, s2;
	p2 =	seq.s32 @!p0 s5, $0x0  }
0x1f: {  	s9 =	smul.u32 $0xF7A, s1;
	s8 =	simm.s32 @!p0 $0x1BF5;
	p2 =	por !p2, p0  }
0x20: {  	[sflag:s8] =	ssyncset.s32 @!p0 $0xFFFFF086;
	s6 =	sadd.s32 @!p0 s3, s7;
	s7 =	simm.s32 @!p0 $0x108  }
0x21: {  	s3 =	sadd.s32 s3, s9;
	s6 =	sadd.s32 @!p0 $0x88, s6;
	s7 =	simm.s32 @p2 $0x1082  }
0x22: {  	[simem:s7], [sflag:s8] =	dma.local @!p0 [hbm:s6], $0xF7A  }
0x23: {  	s9 =	sor.u32 $0xD0000000, s2;
	s6 =	simm.s32 $0x108;
	_ =	swait.ge @!p0 [sflag:s8], $0x0  }
0x24: {  	s3 =	sadd.s32 $0x88, s3;
	s6 =	simm.s32 @!p1 $0x1082;
	[sflag:s4] =	ssyncset.s32 $0xFFFFF086  }
0x25: {  	[simem:s6], [sflag:s4] =	dma.local [hbm:s3], $0xF7A  }
0x26: {  	[smem:$0x3F9D] =	sst s1;
	(tag) =	ssettag s2;
	_ =	strace s9  }
0x27: {  	s1 =	sld [smem:$0x3FAD]  }
0x28: {  	s2 =	sld [smem:$0x3FAE]  }
0x29: {  	s4 =	sld [smem:$0x3FB0]  }
0x2a: {  	p0 =	seq.s32 s5, $0x0;
	s5 =	sld [smem:$0x3FB1]  }
0x2b: {  	s6 =	sld [smem:$0x3FB2]  }
0x2c: {  	s7 =	sld [smem:$0x3FB3]  }
0x2d: {  	s3 =	simm.s32 $0x108;
	s8 =	sld [smem:$0x3FB4]  }
0x2e: {  	s3 =	simm.s32 @!p0 $0x1082;
	s9 =	sld [smem:$0x3FB5]  }
0x2f: {  	lr =	sadd.s32 s0, s3;
	s0 =	sld [smem:$0x3FAC]  }
0x30: {  	s3 =	sld [smem:$0x3FAF]  }
0x31: {  	[smem:$0x3FB8] =	sst s10  }
0x32: {  	s10 =	sld [smem:$0x3FB6];
	_ =	sdelay $0x3  }
0x33: {  	p0 =	seq.s32 s10, $0x1;
	s10 =	sld [smem:$0x3FB8];
	_ =	sdelay $0x3  }
0x34: {  	[smem:$0x3FB8] =	sst s10  }
0x35: {  	s10 =	sld [smem:$0x3FB7];
	_ =	sdelay $0x3  }
0x36: {  	p1 =	seq.s32 s10, $0x1;
	s10 =	sld [smem:$0x3FB8];
	_ =	sdelay $0x3  }
0x37: {  	[smem:$0x3FB8] =	sst s10  }
0x38: {  	s10 =	sld [smem:$0x3FB9]  }
0x39: {  	_ = 	snop;
	(pc) =	sbr.ind lr, $3  }
0x3a: {  	_ = 	snop  }
0x3b: {  	_ = 	snop  }
0x3c: {  	p2 =	seq.s32 s10, $0x1;
	s10 =	sld [smem:$0x3FB8]  }
0x3d: {  	_ =	shalt  }
0x3e: {  	_ =	shalt  }
0x3f: {  	_ =	shalt  }
0x40: {  	_ =	shalt  }
0x41: {  	_ =	shalt  }
0x42: {  	_ =	shalt  }
0x43: {  	_ =	shalt  }
0x44: {  	_ =	shalt  }
0x45: {  	_ =	shalt  }
0x46: {  	_ =	shalt  }
0x47: {  	_ =	shalt  }
0x48: {  	_ =	shalt  }
0x49: {  	_ =	shalt  }
0x4a: {  	_ =	shalt  }
0x4b: {  	_ =	shalt  }
0x4c: {  	_ =	shalt  }
0x4d: {  	_ =	shalt  }
0x4e: {  	_ =	shalt  }
0x4f: {  	_ =	shalt  }
0x50: {  	_ =	shalt  }
0x51: {  	_ =	shalt  }
0x52: {  	_ =	shalt  }
0x53: {  	_ =	shalt  }
0x54: {  	_ =	shalt  }
0x55: {  	_ =	shalt  }
0x56: {  	_ =	shalt  }
0x57: {  	_ =	shalt  }
0x58: {  	_ =	shalt  }
0x59: {  	_ =	shalt  }
0x5a: {  	_ =	shalt  }
0x5b: {  	_ =	shalt  }
0x5c: {  	_ =	shalt  }
0x5d: {  	_ =	shalt  }
0x5e: {  	_ =	shalt  }
0x5f: {  	_ =	shalt  }
0x60: {  	_ =	shalt  }
0x61: {  	_ =	shalt  }
0x62: {  	_ =	shalt  }
0x63: {  	_ =	shalt  }
0x64: {  	_ =	shalt  }
0x65: {  	_ =	shalt  }
0x66: {  	_ =	shalt  }
0x67: {  	_ =	shalt  }
0x68: {  	_ =	shalt  }
0x69: {  	_ =	shalt  }
0x6a: {  	_ =	shalt  }
0x6b: {  	_ =	shalt  }
0x6c: {  	_ =	shalt  }
0x6d: {  	_ =	shalt  }
0x6e: {  	_ =	shalt  }
0x6f: {  	_ =	shalt  }
0x70: {  	_ =	shalt  }
0x71: {  	_ =	shalt  }
0x72: {  	_ =	shalt  }
0x73: {  	_ =	shalt  }
0x74: {  	_ =	shalt  }
0x75: {  	_ =	shalt  }
0x76: {  	_ =	shalt  }
0x77: {  	_ =	shalt  }
0x78: {  	_ =	shalt  }
0x79: {  	_ =	shalt  }
0x7a: {  	_ =	shalt  }
0x7b: {  	_ =	shalt  }
0x7c: {  	_ =	shalt  }
0x7d: {  	_ =	shalt  }
0x7e: {  	_ =	shalt  }
0x7f: {  	_ =	shalt  }
0x80: {  	_ =	shalt  }
0x81: {  	_ =	shalt  }
0x82: {  	_ =	shalt  }
0x83: {  	_ =	shalt  }
0x84: {  	_ =	shalt  }
0x85: {  	_ =	shalt  }
0x86: {  	_ =	shalt  }
0x87: {  	_ =	shalt  }
.Lfunc_end0:
.L_simem_size_0:
called_computation_lowered:
.L_overlay_start_0:
0x88: {  	s2 =	sld [smem:$0x3FD9]  }
0x89: {  	s3 =	sld [smem:$0x3FFE];
	_ =	sdelay $0x1  }
0x8a: {  	s1 =	srdreg.scid  }
0x8b: {  	s0 =	sand.u32 $0x1, s1  }
0x8c: {  	s17 =	sshll.u32 s0, $0xA;
	s2 =	sadd.s32 s3, s2  }
0x8d: {  	s2 =	sadd.s32 s2, s17  }
0x8e: {  	[smem:$0x3FC4] =	sst s2  }
0x8f: {  	_ = 	snop  }
0x90: {  	s2 =	sld [smem:$0x3FD0];
	(tm) =	ssettm $0x1  }
0x91: {  	s18 =	sld [smem:$0x3FFB];
	_ =	sdelay $0x3  }
0x92: {  	_ =	strace s18  }
0x93: {  	s3 =	sld [smem:$0x3FFC];
	_ =	sdelay $0x3  }
0x94: {  	_ =	strace s3  }
0x95: {  	s3 =	sld [smem:$0x3FFD];
	_ =	sdelay $0x3  }
0x96: {  	_ =	strace s3  }
0x97: {  	_ =	strace $0x8FFFFFFF  }
0x98: {  	s19 =	sld [smem:$0x3FDB];
	_ =	sdelay $0x1  }
0x99: {  	s4 =	simm.s32 $_scs_section_size  }
0x9a: {  	s5 =	simm.s32 $_size__tile_overlayer_lowered;
	s6 =	simm.s32 $_tile_overlayer_lowered  }
0x9b: {  	s22 =	simm.s32 $0x1BFF;
	s21 =	sshll.u32 s6, $0x1;
	s3 =	sadd.s32 s4, s19  }
0x9c: {  	s7 =	simm.s32 $0x0;
	s20 =	sshll.u32 s5, $0x1;
	s5 =	sadd.s32 s21, s3  }
0x9d: {  	[timem:s7], [sflag:s22] =	dma.local [hbm:s5], s20  }
0x9e: {  	_ =	swait.ge [sflag:s22], s20  }
0x9f: {  	s4 =	ssub.s32 $0x0, s20;
	[sflag:s22] =	ssyncset.done $0x0  }
0xa0: {  	[sflag:s22] =	ssyncadd.s32 s4;
	_ =	sdelay $0x1  }
0xa1: {  	s23 =	simm.s32 $0x1B8B  }
0xa2: {  	_ =	swait.ge [sflag:s23], $0x1  }
0xa3: {  	[sflag:s23] =	ssyncset.done $0x0  }
0xa4: {  	s25 =	simm.s32 $0x1B8E;
	s24 =	sld [smem:$0x3FFE];
	[sflag:s23] =	ssyncadd.s32 $0xFFFFFFFF  }
0xa5: {  	s26 =	simm.s32 $execute0_lowered;
	[smem:$0x3FD2] =	sst s25  }
0xa6: {  	s5 =	sshll.u32 s26, $0x1;
	_ =	strace $0x80000046;
	[dreg:$0x1] =	wrdreg $0xFFFFFFFF  }
0xa7: {  	s28 =	simm.s32 $_size_execute0_lowered;
	s3 =	sadd.s32 s3, s5;
	[dreg:$0x0] =	wrdreg $0x0  }
0xa8: {  	s5 =	sshll.u32 s28, $0x1;
	[dreg:$0x2] =	wrdreg s3  }
0xa9: {  	[dreg:$0x3] =	wrdreg s5  }
0xaa: {  	[dreg:$0x4] =	wrdreg $0xC0  }
0xab: {  	_ =	task [dreg:s7], $0x5FFFF  }
0xac: {  	[dreg:$0x1] =	wrdreg $0xFFFFFFFF  }
0xad: {  	[dreg:$0x0] =	wrdreg $0x60  }
0xae: {  	[dreg:$0x2] =	wrdreg s2  }
0xaf: {  	[dreg:$0x3] =	wrdreg s24  }
0xb0: {  	[dreg:$0x4] =	wrdreg $0x9  }
0xb1: {  	_ =	task.clear_ibuf [dreg:s7], $0x5FFFF;
	_ =	strace $0x90000046  }
0xb2: {  	s29 =	simm.s32 $0x9;
	_ =	strace $0x80000048  }
0xb3: {  	_ =	swait.ge [sflag:s29], $0x1  }
0xb4: {  	[sflag:s29] =	ssyncadd.s32 $0xFFFFFFFF  }
0xb5: {  	_ =	strace $0x90000048  }
0xb6: {  	_ =	sfence  }
0xb7: {  	s30 =	sld [smem:$0x0];
	_ =	sdelay $0x2  }
0xb8: {  	s31 =	sshll.u32 s1, $0xD;
	s1 =	sshrl.u32 s1, $0x2  }
0xb9: {  	s3 =	sand.u32 $0x4000, s31;
	s1 =	sadd.s32 s1, s30  }
0xba: {  	s0 =	sor.u32 s3, s0;
	s1 =	sshll.u32 s1, $0x11  }
0xbb: {  	s0 =	sor.u32 s1, s0  }
0xbc: {  	s0 =	sadd.s32 $0x8F2B, s0  }
0xbd: {  	[sflag:s0] =	ssyncadd.remote.s32 $0x1  }
0xbe: {  	_ =	sfence.sel $0xFFFF  }
0xbf: {  	[dreg:$0x0] =	wrdreg $0xFFFFFFFF;
	(pc) =	sbr.abs _section_cstart, $3  }
0xc0: {  	[dreg:$0x1] =	wrdreg $0xFFFFFFFF  }
0xc1: {  	_ =	task.clear_ibuf [dreg:s7], $0x2FFFF;
	_ =	strace $0x9FFFFFFF  }
0xc2: {  	(tm) =	ssettm $0x7FFFFFFF  }
0xc3: {  	_ =	shalt  }
tec
execute0_lowered:
.L_overlay_start_1:
0x0: {  	(tag) =	ssettag $0x1  }
0x1: {  	s4 =	rddreg [dreg:$0x0]  }
0x2: {  	s3 =	rddreg [dreg:$0x1]  }
0x3: {  	s0 =	rddreg [dreg:$0x2];
	s5 =	srdreg.scid  }
0x4: {  	s2 =	simm.s32 $0x0;
	s1 =	stileid.u32;
	s10 =	simm.s32 $0x2000  }
0x5: {  	s11 =	simm.s32 $0x3000;
	s12 =	simm.s32 $0x80;
	s13 =	simm.s32 $0x400  }
0x6: {  	s14 =	simm.s32 $0x3800;
	s15 =	simm.s32 $0x1;
	s16 =	simm.s32 $0x2  }
0x7: {  	s17 =	simm.s32 $0x0;
	s6 =	sand.u32 $0x1, s5;
	[smem:$0x7FF] =	sst s2  }
0x8: {  	s28 =	sshll.u32 s1, $0x7;
	s3 =	sadd.s32 $0x1600, s3;
	s30 =	sshll.u32 s1, $0xF  }
0x9: {  	s7 =	sshll.u32 s6, $0x6;
	_ =	strace $0x80000047;
	s8 =	ssub.s32 $0x2, s6  }
0xa: {  	s31 =	sshll.u32 s6, $0xE;
	s5 =	sor.u32 s7, s28;
	s29 =	sshrl.u32 s8, $0x1  }
0xb: {  	s9 =	sshll.u32 s5, $0x4;
	s7 =	ssub.s32 s8, s29;
	s5 =	sshll.u32 s5, $0x8  }
0xc: {  	s8 =	sor.u32 s31, s30;
	s4 =	sadd.s32 s4, s9;
	s5 =	sadd.s32 s3, s5  }
0xd: {  	v0 =	vimm.f32 $0.0e+00;
	v1 =	vimm.s32 $0x0;
	s7 =	smax.u32 s7, $0x1;
	s9 =	simm.s32 $0x3;
	s6 =	sadd.s32 $0x10, s5  }
.LBB2_1:
0xe: {  	[tilespmem:s2], [sflag:$0x3] =	stream.linear.gather [hbm4b:s4+s2], $0x2000, $0x38;
	[tilespmem:$0x4000] =	vst v63  }
0xf: {  	_ =	swait.ge [sflag:s9], $0x2000  }
0x10: {  	[sflag:s9] =	ssyncset.done $0x0  }
0x11: {  	s18 =	simm.s32 $0x2010;
	[sflag:s9] =	ssyncadd.s32 $0xFFFFE000  }
0x12: {  	[tilespmem:s18+$0xFFFFFFF0] =	vst v0  }
0x13: {  	s19 =	simm.s32 $0x40;
	s20 =	simm.s32 $0x0;
	[tilespmem:s18+$0x0] =	vst v0  }
.LBB2_2:
0x14: {  	p0 =	sne.s32 s19, $0x1FC0  }
0x15: {  	[tilespmem:s20+$0x3000] =	vst v1;
	s18 =	sadd.s32 $0x20, s18;
	s21 =	smov.u32 s19;
	s19 =	sadd.s32 $0x40, s19  }
.Ltmp0:
0x16: {  	[tilespmem:s20+$0x3800] =	vst v1;
	(pc) =	sbr.rel @p0 .LBB2_2-.Ltmp0, $3  }
0x17: {  	_ =	sdelay $0x1  }
0x18: {  	[tilespmem:s18+$0xFFFFFFF0] =	vst v0  }
0x19: {  	s20 =	sshra.s32 s21, $0x2;
	[tilespmem:s18+$0x0] =	vst v0  }
0x1a: {  	[tilespmem:s20+$0x3000] =	vst v1  }
0x1b: {  	[tilespmem:s20+$0x3800] =	vst v1  }
0x1c: {  	v2 =	vld [tilespmem:$0x0]  }
0x1d: {  	v3 =	vld [tilespmem:$0x10];
	_ =	sdelay $0x1  }
0x1e: {  	v4 =	vld [tilespmem:$0x20]  }
0x1f: {  	v5 =	vld [tilespmem:$0x30];
	_ =	sdelay $0x3  }
0x20: {  	[tilespmem:v2+s10+$0x0] =	vst.idx.add.f32.msk $0xffff, v4  }
0x21: {  	[tilespmem:v3+s10+$0x0] =	vst.idx.add.f32.msk $0xffff, v5  }
0x22: {  	v4 =	vld.idx.msk [tilespmem:v2+s10+$0x0], $0xffff  }
0x23: {  	v49 =	vand.u32 $0x7FF, v2;
	_ =	sdelay $0x3  }
0x24: {  	[tilespmem:v2+s10+$0x0] =	vst.idx.msk $0xffff, v0;
	v2 =	vshra.s32 v2, $0xB;
	v6 =	vshrl.u32 v4, $0x10  }
0x25: {  	vm0 =	veq.s32 v2, $0x0;
	v7 =	vld.idx.msk [tilespmem:v49+s11+$0x0], $0xffff;
	v6 =	vand.u32 $0x1, v6  }
0x26: {  	v4 =	vadd.s32 v6, v4  }
0x27: {  	v4 =	vadd.s32 $0x7FFF, v4  }
0x28: {  	vm1 =	veq.s32 v2, $0x1;
	v50 =	vshrl.u32 v4, $0x10;
	v2 =	vand.u32 $0xFFFF0000, v4  }
0x29: {  	v2 =	vsel vm1, v2, v50  }
0x2a: {  	v51 =	vor.u32 v7, v2  }
0x2b: {  	[tilespmem:v49+s11+$0x0] =	vst.idx.msk vm0, v51  }
0x2c: {  	v4 =	vld.idx.msk [tilespmem:v49+s11+$0x0], $0xffff;
	_ =	sdelay $0x4  }
0x2d: {  	v2 =	vor.u32 v4, v2  }
0x2e: {  	[tilespmem:v49+s11+$0x0] =	vst.idx.msk vm1, v2  }
0x2f: {  	v2 =	vld.idx.msk [tilespmem:v3+s10+$0x0], $0xffff  }
0x30: {  	v52 =	vand.u32 $0x7FF, v3;
	_ =	sdelay $0x3  }
0x31: {  	[tilespmem:v3+s10+$0x0] =	vst.idx.msk $0xffff, v0;
	v3 =	vshra.s32 v3, $0xB;
	v53 =	vshrl.u32 v2, $0x10  }
0x32: {  	vm10 =	veq.s32 v3, $0x0;
	v54 =	vld.idx.msk [tilespmem:v52+s11+$0x0], $0xffff;
	v5 =	vand.u32 $0x1, v53  }
0x33: {  	v2 =	vadd.s32 v5, v2  }
0x34: {  	v2 =	vadd.s32 $0x7FFF, v2  }
0x35: {  	vm11 =	veq.s32 v3, $0x1;
	v55 =	vshrl.u32 v2, $0x10;
	v2 =	vand.u32 $0xFFFF0000, v2  }
0x36: {  	v2 =	vsel vm11, v2, v55  }
0x37: {  	v3 =	vor.u32 v54, v2  }
0x38: {  	[tilespmem:v52+s11+$0x0] =	vst.idx.msk vm10, v3  }
0x39: {  	v3 =	vld.idx.msk [tilespmem:v52+s11+$0x0], $0xffff;
	_ =	sdelay $0x4  }
0x3a: {  	v2 =	vor.u32 v3, v2  }
0x3b: {  	[tilespmem:v52+s11+$0x0] =	vst.idx.msk vm11, v2  }
0x3c: {  	[hbm4b:s5+s12] =	stream.strided.scatter [tilespmem:s11], [sflag:$0x1], $0x800, s13, s12, $0x38;
	[tilespmem:$0x4000] =	vst v63  }
0x3d: {  	v2 =	vld [tilespmem:$0x80]  }
0x3e: {  	v3 =	vld [tilespmem:$0x90];
	_ =	sdelay $0x1  }
0x3f: {  	v4 =	vld [tilespmem:$0xA0]  }
0x40: {  	v56 =	vld [tilespmem:$0xB0];
	_ =	sdelay $0x3  }
0x41: {  	[tilespmem:v2+s10+$0x0] =	vst.idx.add.f32.msk $0xffff, v4  }
0x42: {  	[tilespmem:v3+s10+$0x0] =	vst.idx.add.f32.msk $0xffff, v56  }
0x43: {  	v4 =	vld.idx.msk [tilespmem:v2+s10+$0x0], $0xffff  }
0x44: {  	v57 =	vand.u32 $0x7FF, v2;
	_ =	sdelay $0x3  }
0x45: {  	[tilespmem:v2+s10+$0x0] =	vst.idx.msk $0xffff, v0;
	v2 =	vshra.s32 v2, $0xB;
	v58 =	vshrl.u32 v4, $0x10  }
0x46: {  	vm12 =	veq.s32 v2, $0x0;
	v59 =	vld.idx.msk [tilespmem:v57+s14+$0x0], $0xffff;
	v6 =	vand.u32 $0x1, v58  }
0x47: {  	v4 =	vadd.s32 v6, v4  }
0x48: {  	v4 =	vadd.s32 $0x7FFF, v4  }
0x49: {  	vm13 =	veq.s32 v2, $0x1;
	v2 =	vshrl.u32 v4, $0x10;
	v4 =	vand.u32 $0xFFFF0000, v4  }
0x4a: {  	v2 =	vsel vm13, v4, v2  }
0x4b: {  	v4 =	vor.u32 v59, v2  }
0x4c: {  	[tilespmem:v57+s14+$0x0] =	vst.idx.msk vm12, v4  }
0x4d: {  	v4 =	vld.idx.msk [tilespmem:v57+s14+$0x0], $0xffff;
	_ =	sdelay $0x4  }
0x4e: {  	v2 =	vor.u32 v4, v2  }
0x4f: {  	[tilespmem:v57+s14+$0x0] =	vst.idx.msk vm13, v2  }
0x50: {  	v2 =	vld.idx.msk [tilespmem:v3+s10+$0x0], $0xffff  }
0x51: {  	v60 =	vand.u32 $0x7FF, v3;
	_ =	sdelay $0x3  }
0x52: {  	[tilespmem:v3+s10+$0x0] =	vst.idx.msk $0xffff, v0;
	v3 =	vshra.s32 v3, $0xB;
	v61 =	vshrl.u32 v2, $0x10  }
0x53: {  	vm14 =	veq.s32 v3, $0x0;
	v62 =	vld.idx.msk [tilespmem:v60+s14+$0x0], $0xffff;
	v5 =	vand.u32 $0x1, v61  }
0x54: {  	v2 =	vadd.s32 v5, v2  }
0x55: {  	v2 =	vadd.s32 $0x7FFF, v2  }
0x56: {  	vm15 =	veq.s32 v3, $0x1;
	v63 =	vshrl.u32 v2, $0x10;
	v2 =	vand.u32 $0xFFFF0000, v2  }
0x57: {  	v2 =	vsel vm15, v2, v63  }
0x58: {  	v3 =	vor.u32 v62, v2  }
0x59: {  	[tilespmem:v60+s14+$0x0] =	vst.idx.msk vm14, v3  }
0x5a: {  	v3 =	vld.idx.msk [tilespmem:v60+s14+$0x0], $0xffff;
	_ =	sdelay $0x4  }
0x5b: {  	v2 =	vor.u32 v3, v2  }
0x5c: {  	s18 =	simm.s32 $0x30;
	s19 =	simm.s32 $0x100;
	s20 =	smov.u32 s8;
	[tilespmem:v60+s14+$0x0] =	vst.idx.msk vm15, v2  }
0x5d: {  	[hbm4b:s6+s12] =	stream.strided.scatter [tilespmem:s14], [sflag:$0x2], $0x800, s13, s12, $0x38;
	[tilespmem:$0x4000] =	vst v63  }
.LBB2_4:
0x5e: {  	_ =	swait.ge [sflag:s15], $0x800  }
0x5f: {  	[sflag:s15] =	ssyncset.done $0x0  }
0x60: {  	[sflag:s15] =	ssyncadd.s32 $0xFFFFF800  }
0x61: {  	v2 =	vld [tilespmem:s19+$0xFFFFFF00]  }
0x62: {  	v3 =	vld [tilespmem:s19+$0xFFFFFF10];
	_ =	sdelay $0x3  }
0x63: {  	v2 =	vand.u32 $0x7FF, v2  }
0x64: {  	v3 =	vand.u32 $0x7FF, v3;
	_ =	sdelay $0x3  }
0x65: {  	[tilespmem:v2+s11+$0x0] =	vst.idx.msk $0xffff, v1  }
0x66: {  	[tilespmem:v3+s11+$0x0] =	vst.idx.msk $0xffff, v1  }
0x67: {  	v2 =	vld [tilespmem:s19+$0x0]  }
0x68: {  	v3 =	vld [tilespmem:s19+$0x10];
	_ =	sdelay $0x1  }
0x69: {  	v4 =	vld [tilespmem:s19+$0x20]  }
0x6a: {  	v5 =	vld [tilespmem:s19+$0x30];
	_ =	sdelay $0x3  }
0x6b: {  	[tilespmem:v2+s10+$0x0] =	vst.idx.add.f32.msk $0xffff, v4  }
0x6c: {  	[tilespmem:v3+s10+$0x0] =	vst.idx.add.f32.msk $0xffff, v5  }
0x6d: {  	v4 =	vld.idx.msk [tilespmem:v2+s10+$0x0], $0xffff  }
0x6e: {  	v48 =	vand.u32 $0x7FF, v2;
	_ =	sdelay $0x3  }
0x6f: {  	[tilespmem:v2+s10+$0x0] =	vst.idx.msk $0xffff, v0;
	v2 =	vshra.s32 v2, $0xB;
	v6 =	vshrl.u32 v4, $0x10  }
0x70: {  	vm0 =	veq.s32 v2, $0x0;
	v7 =	vld.idx.msk [tilespmem:v48+s11+$0x0], $0xffff;
	v6 =	vand.u32 $0x1, v6  }
0x71: {  	v4 =	vadd.s32 v6, v4  }
0x72: {  	v4 =	vadd.s32 $0x7FFF, v4  }
0x73: {  	vm1 =	veq.s32 v2, $0x1;
	v49 =	vshrl.u32 v4, $0x10;
	v2 =	vand.u32 $0xFFFF0000, v4  }
0x74: {  	v2 =	vsel vm1, v2, v49  }
0x75: {  	v50 =	vor.u32 v7, v2  }
0x76: {  	[tilespmem:v48+s11+$0x0] =	vst.idx.msk vm0, v50  }
0x77: {  	v4 =	vld.idx.msk [tilespmem:v48+s11+$0x0], $0xffff;
	_ =	sdelay $0x4  }
0x78: {  	v2 =	vor.u32 v4, v2  }
0x79: {  	[tilespmem:v48+s11+$0x0] =	vst.idx.msk vm1, v2  }
0x7a: {  	v2 =	vld.idx.msk [tilespmem:v3+s10+$0x0], $0xffff  }
0x7b: {  	v51 =	vand.u32 $0x7FF, v3;
	_ =	sdelay $0x3  }
0x7c: {  	[tilespmem:v3+s10+$0x0] =	vst.idx.msk $0xffff, v0;
	v3 =	vshra.s32 v3, $0xB;
	v52 =	vshrl.u32 v2, $0x10  }
0x7d: {  	vm10 =	veq.s32 v3, $0x0;
	v53 =	vld.idx.msk [tilespmem:v51+s11+$0x0], $0xffff;
	v5 =	vand.u32 $0x1, v52  }
0x7e: {  	v2 =	vadd.s32 v5, v2  }
0x7f: {  	v2 =	vadd.s32 $0x7FFF, v2  }
0x80: {  	vm11 =	veq.s32 v3, $0x1;
	v54 =	vshrl.u32 v2, $0x10;
	v2 =	vand.u32 $0xFFFF0000, v2  }
0x81: {  	v2 =	vsel vm11, v2, v54  }
0x82: {  	v3 =	vor.u32 v53, v2  }
0x83: {  	[tilespmem:v51+s11+$0x0] =	vst.idx.msk vm10, v3  }
0x84: {  	v3 =	vld.idx.msk [tilespmem:v51+s11+$0x0], $0xffff;
	_ =	sdelay $0x2  }
0x85: {  	s22 =	sadd.s32 $0xFFFFFFF0, s18  }
0x86: {  	s21 =	sadd.s32 $0x200, s20;
	s22 =	sand.u32 $0x60, s22  }
0x87: {  	s23 =	sand.u32 $0xFF800, s21;
	s22 =	sadd.s32 s3, s22;
	v2 =	vor.u32 v3, v2  }
0x88: {  	s22 =	sadd.s32 s23, s22;
	[tilespmem:v51+s11+$0x0] =	vst.idx.msk vm11, v2  }
0x89: {  	[hbm4b:s22+s12] =	stream.strided.scatter [tilespmem:s11], [sflag:$0x1], $0x800, s13, s12, $0x38;
	[tilespmem:$0x4000] =	vst v63  }
0x8a: {  	_ =	swait.ge [sflag:s16], $0x800  }
0x8b: {  	[sflag:s16] =	ssyncset.done $0x0  }
0x8c: {  	[sflag:s16] =	ssyncadd.s32 $0xFFFFF800  }
0x8d: {  	v2 =	vld [tilespmem:s19+$0xFFFFFF80]  }
0x8e: {  	v3 =	vld [tilespmem:s19+$0xFFFFFF90];
	_ =	sdelay $0x3  }
0x8f: {  	v2 =	vand.u32 $0x7FF, v2  }
0x90: {  	v3 =	vand.u32 $0x7FF, v3;
	_ =	sdelay $0x3  }
0x91: {  	[tilespmem:v2+s14+$0x0] =	vst.idx.msk $0xffff, v1  }
0x92: {  	[tilespmem:v3+s14+$0x0] =	vst.idx.msk $0xffff, v1  }
0x93: {  	v2 =	vld [tilespmem:s19+$0x80]  }
0x94: {  	v3 =	vld [tilespmem:s19+$0x90];
	_ =	sdelay $0x1  }
0x95: {  	v55 =	vld [tilespmem:s19+$0xA0]  }
0x96: {  	v56 =	vld [tilespmem:s19+$0xB0];
	_ =	sdelay $0x3  }
0x97: {  	[tilespmem:v2+s10+$0x0] =	vst.idx.add.f32.msk $0xffff, v55  }
0x98: {  	[tilespmem:v3+s10+$0x0] =	vst.idx.add.f32.msk $0xffff, v56  }
0x99: {  	v4 =	vld.idx.msk [tilespmem:v2+s10+$0x0], $0xffff  }
0x9a: {  	v57 =	vand.u32 $0x7FF, v2;
	_ =	sdelay $0x3  }
0x9b: {  	[tilespmem:v2+s10+$0x0] =	vst.idx.msk $0xffff, v0;
	v2 =	vshra.s32 v2, $0xB;
	v58 =	vshrl.u32 v4, $0x10  }
0x9c: {  	vm12 =	veq.s32 v2, $0x0;
	v59 =	vld.idx.msk [tilespmem:v57+s14+$0x0], $0xffff;
	v6 =	vand.u32 $0x1, v58  }
0x9d: {  	v4 =	vadd.s32 v6, v4  }
0x9e: {  	v4 =	vadd.s32 $0x7FFF, v4  }
0x9f: {  	vm13 =	veq.s32 v2, $0x1;
	v2 =	vshrl.u32 v4, $0x10;
	v4 =	vand.u32 $0xFFFF0000, v4  }
0xa0: {  	v2 =	vsel vm13, v4, v2  }
0xa1: {  	v4 =	vor.u32 v59, v2  }
0xa2: {  	[tilespmem:v57+s14+$0x0] =	vst.idx.msk vm12, v4  }
0xa3: {  	v4 =	vld.idx.msk [tilespmem:v57+s14+$0x0], $0xffff;
	_ =	sdelay $0x4  }
0xa4: {  	v2 =	vor.u32 v4, v2  }
0xa5: {  	[tilespmem:v57+s14+$0x0] =	vst.idx.msk vm13, v2  }
0xa6: {  	v2 =	vld.idx.msk [tilespmem:v3+s10+$0x0], $0xffff  }
0xa7: {  	v60 =	vand.u32 $0x7FF, v3;
	_ =	sdelay $0x3  }
0xa8: {  	[tilespmem:v3+s10+$0x0] =	vst.idx.msk $0xffff, v0;
	v3 =	vshra.s32 v3, $0xB;
	v61 =	vshrl.u32 v2, $0x10  }
0xa9: {  	vm14 =	veq.s32 v3, $0x0;
	v62 =	vld.idx.msk [tilespmem:v60+s14+$0x0], $0xffff;
	v5 =	vand.u32 $0x1, v61  }
0xaa: {  	v2 =	vadd.s32 v5, v2  }
0xab: {  	v2 =	vadd.s32 $0x7FFF, v2  }
0xac: {  	vm15 =	veq.s32 v3, $0x1;
	v63 =	vshrl.u32 v2, $0x10;
	v2 =	vand.u32 $0xFFFF0000, v2  }
0xad: {  	v2 =	vsel vm15, v2, v63  }
0xae: {  	v3 =	vor.u32 v62, v2  }
0xaf: {  	[tilespmem:v60+s14+$0x0] =	vst.idx.msk vm14, v3  }
0xb0: {  	v3 =	vld.idx.msk [tilespmem:v60+s14+$0x0], $0xffff;
	_ =	sdelay $0x2  }
0xb1: {  	p0 =	sne.s32 s18, $0x3F0  }
.Ltmp1:
0xb2: {  	s30 =	sadd.s32 $0x300, s20;
	s31 =	sand.u32 $0x70, s18;
	(pc) =	sbr.rel @p0 .LBB2_4-.Ltmp1, $4  }
0xb3: {  	s20 =	sand.u32 $0xFF800, s30;
	s22 =	sadd.s32 s3, s31;
	v2 =	vor.u32 v3, v2  }
0xb4: {  	s20 =	sadd.s32 s20, s22;
	[tilespmem:v60+s14+$0x0] =	vst.idx.msk vm15, v2  }
0xb5: {  	[hbm4b:s20+s12] =	stream.strided.scatter [tilespmem:s14], [sflag:$0x2], $0x800, s13, s12, $0x38;
	[tilespmem:$0x4000] =	vst v63  }
0xb6: {  	s18 =	sadd.s32 $0x20, s18;
	s19 =	sadd.s32 $0x100, s19;
	s20 =	smov.u32 s21  }
0xb7: {  	s17 =	sadd.s32 $0x1, s17  }
0xb8: {  	_ =	swait.ge [sflag:s15], $0x800;
	p0 =	sne.s32 s17, s7  }
.Ltmp2:
0xb9: {  	[sflag:s15] =	ssyncset.done $0x0;
	(pc) =	sbr.rel @p0 .LBB2_1-.Ltmp2, $4  }
0xba: {  	[sflag:s15] =	ssyncadd.s32 $0xFFFFF800  }
0xbb: {  	_ =	swait.ge [sflag:s16], $0x800  }
0xbc: {  	[sflag:s16] =	ssyncset.done $0x0  }
0xbd: {  	[sflag:s16] =	ssyncadd.s32 $0xFFFFF800  }
0xbe: {  	_ =	sfence.sel $0x180000  }
0xbf: {  	[bflag:$0x0] =	sbarrier.arrive $0xFFFF  }
0xc0: {  	p0 =	sne.s32 s1, $0x0;
	_ =	strace $0x90000047  }
0xc1: {  	s0 =	sadd.s32 @!p0 $0x100000, s0;
	[bflag:$0x2] =	sbarrier.arrive $0xFFFF  }
0xc2: {  	[sflag:s0] =	ssyncadd.tile.s32 @!p0 $0x1;
	_ =	shalt  }
.Lfunc_end2:
_tile_overlayer_lowered:
.L_overlay_start_2:
0xc3: {  	(tag) =	ssettag $0x2  }
0xc4: {  	s0 =	rddreg [dreg:$0x0];
	s2 =	stileid.u32  }
0xc5: {  	s1 =	rddreg [dreg:$0x1];
	p0 =	sne.s32 s2, $0x0  }
0xc6: {  	s3 =	rddreg [dreg:$0x2];
	[bflag:$0x3] =	sbarrier.arrive $0xFFFF;
	s2 =	simm.s32 @!p0 $0x1C03  }
0xc7: {  	[timem:s3], [sflag:s2] =	dma.local @!p0 [hbm:s0], s1  }
0xc8: {  	s0 =	simm.s32 @!p0 $0x3  }
0xc9: {  	_ =	swait.ge @!p0 [sflag:s0], s1  }
0xca: {  	s1 =	ssub.s32 @!p0 $0x0, s1;
	[sflag:s0] =	ssyncset.done @!p0 $0x0  }
0xcb: {  	[sflag:s0] =	ssyncadd.s32 @!p0 s1  }
0xcc: {  	[bflag:$0x3] =	sbarrier.arrive $0xFFFF  }
0xcd: {  	_ =	shalt  }

</sc_bundles>
